<compile_context>
chip_gen: v7x
topology: tpu7x:2x2x1
jax: 0.10.2.dev20260603
libtpu: 0.0.44.dev20260713+nightly
codegen_flags: <defaults>
</compile_context>

<pallas_src>
import functools

import jax
import jax.numpy as jnp
from jax import lax
from jax.experimental import pallas as pl
from jax.experimental.pallas import tpu as pltpu
from jax.experimental.pallas import tpu_sc as plsc

N_NODES = 10000
N_PAD = 10240
N_EDGES = 160000
IN_DIM = 256
OUT_DIM = 256
HALF = 128

NC = 2
NS = 16

BLK = 125
H_NBLK = 40
A_NBLK = 80

_mesh = plsc.VectorSubcoreMesh(core_axis_name="c", subcore_axis_name="s")


@functools.partial(
    pl.kernel,
    mesh=_mesh,
    out_type=jax.ShapeDtypeStruct((NC, N_PAD, 16), jnp.float32),
    scratch_types=[
        pltpu.VMEM((H_NBLK, BLK), jnp.int32),
        pltpu.VMEM((BLK, 16), jnp.float32),
        pltpu.VMEM((160, 16), jnp.float32),
        pltpu.VMEM_SHARED((N_PAD, 16), jnp.float32),
        pltpu.SemaphoreType.DMA,
    ],
)
def _sc_hist(e3_hbm, d16_hbm, idx_v, ones_v, zer_v, d_sh, sem):
    c = lax.axis_index("c")
    s = lax.axis_index("s")
    wid = c * NS + s
    hs_hbm = e3_hbm.at[0]

    @pl.loop(0, BLK)
    def _(j):
        ones_v[j, :] = jnp.full((16,), 1.0, jnp.float32)

    @pl.loop(0, 160)
    def _(j):
        zer_v[j, :] = jnp.zeros((16,), jnp.float32)

    @pl.loop(0, 4)
    def _(k):
        pltpu.sync_copy(zer_v, d_sh.at[pl.ds(s * 640 + k * 160, 160)])

    plsc.subcore_barrier()

    pltpu.sync_copy(hs_hbm.at[pl.ds(wid * H_NBLK, H_NBLK)], idx_v)

    @pl.loop(0, H_NBLK)
    def _(j):
        pltpu.async_copy(ones_v, d_sh.at[idx_v.at[j]], sem, add=True)

    @pl.loop(0, H_NBLK)
    def _(j):
        pltpu.make_async_copy(ones_v, d_sh.at[idx_v.at[j]], sem).wait()

    plsc.subcore_barrier()
    pltpu.sync_copy(d_sh.at[pl.ds(s * 640, 640)],
                    d16_hbm.at[c, pl.ds(s * 640, 640)])


@functools.partial(
    pl.kernel,
    mesh=_mesh,
    out_type=jax.ShapeDtypeStruct((NC, N_PAD, HALF), jnp.float32),
    scratch_types=[
        pltpu.VMEM((A_NBLK // 2, BLK), jnp.int32),
        pltpu.VMEM((A_NBLK // 2, BLK), jnp.int32),
        pltpu.VMEM((BLK, HALF), jnp.float32),
        pltpu.VMEM((BLK, HALF), jnp.float32),
        pltpu.VMEM_SHARED((N_PAD, HALF), jnp.float32),
        pltpu.SemaphoreType.DMA,
        pltpu.SemaphoreType.DMA,
    ],
)
def _sc_agg(scaled_hbm, e3_hbm, agg_hbm,
            tsg_v, hs_v, rb0, rb1, agg_sh, sem0, sem1):
    c = lax.axis_index("c")
    s = lax.axis_index("s")
    half_nblk = A_NBLK // 2
    hs_hbm = e3_hbm.at[0]
    tsg_hbm = e3_hbm.at[1]

    @pl.loop(0, BLK)
    def _(j):
        @pl.loop(0, HALF // 16)
        def _(k):
            rb0[j, pl.ds(k * 16, 16)] = jnp.zeros((16,), jnp.float32)

    @pl.loop(0, 8)
    def _(k):
        pltpu.sync_copy(rb0.at[pl.ds(0, 80)],
                        agg_sh.at[pl.ds(s * 640 + k * 80, 80)])

    plsc.subcore_barrier()

    scaled_c = scaled_hbm.at[pl.ds(c * N_NODES, N_NODES)]

    def start_gather(b, rb, sem):
        pltpu.make_async_copy(scaled_c.at[tsg_v.at[b]], rb, sem).start()

    def wait_gather(b, rb, sem):
        pltpu.make_async_copy(scaled_c.at[tsg_v.at[b]], rb, sem).wait()

    def scatter(b, rb):
        pltpu.sync_copy(rb, agg_sh.at[hs_v.at[b]], add=True)

    for ph in range(2):
        pltpu.sync_copy(
            tsg_hbm.at[pl.ds(s * A_NBLK + ph * half_nblk, half_nblk)], tsg_v)
        pltpu.sync_copy(
            hs_hbm.at[pl.ds(s * A_NBLK + ph * half_nblk, half_nblk)], hs_v)

        start_gather(0, rb0, sem0)
        start_gather(1, rb1, sem1)

        @pl.loop(0, half_nblk // 2)
        def _(j):
            b0 = 2 * j

            def step(b, rb, sem):
                wait_gather(b, rb, sem)
                scatter(b, rb)

                @pl.when(b + 2 < half_nblk)
                def _():
                    start_gather(b + 2, rb, sem)

            step(b0, rb0, sem0)
            step(b0 + 1, rb1, sem1)

    plsc.subcore_barrier()
    pltpu.sync_copy(agg_sh.at[pl.ds(s * 640, 640)],
                    agg_hbm.at[c, pl.ds(s * 640, 640)])


def _tc_mm(feats, W):
    B = 2000

    def body(x_ref, w_ref, o_ref):
        o_ref[...] = lax.dot_general(x_ref[...], w_ref[...],
                                     (((1,), (1,)), ((), ())),
                                     preferred_element_type=jnp.float32)

    return pl.pallas_call(
        body,
        grid=(N_NODES // B,),
        in_specs=[
            pl.BlockSpec((B, IN_DIM), lambda i: (i, 0)),
            pl.BlockSpec((OUT_DIM, IN_DIM), lambda i: (0, 0)),
        ],
        out_specs=pl.BlockSpec((B, OUT_DIM), lambda i: (i, 0)),
        out_shape=jax.ShapeDtypeStruct((N_NODES, OUT_DIM), jnp.float32),
    )(feats, W)


def _tc_scale(d16, y):
    B = 2000

    def body(d_ref, x_ref, o_ref):
        deg = d_ref[0, :, 0:1] + d_ref[1, :, 0:1]
        xs = lax.rsqrt(deg) * x_ref[...]
        o_ref[0] = xs[:, :HALF]
        o_ref[1] = xs[:, HALF:]

    return pl.pallas_call(
        body,
        grid=(N_NODES // B,),
        in_specs=[
            pl.BlockSpec((2, B, 16), lambda i: (0, i, 0)),
            pl.BlockSpec((B, IN_DIM), lambda i: (i, 0)),
        ],
        out_specs=pl.BlockSpec((2, B, HALF), lambda i: (0, i, 0)),
        out_shape=jax.ShapeDtypeStruct((2, N_NODES, HALF), jnp.float32),
    )(d16, y)


def _tc_out(d16, aggp):
    B = 2000

    def body(d_ref, a_ref, o_ref):
        deg = d_ref[0, :, 0:1] + d_ref[1, :, 0:1]
        sc = lax.rsqrt(deg)
        o_ref[:, :HALF] = jnp.maximum(a_ref[0] * sc, 0.0)
        o_ref[:, HALF:] = jnp.maximum(a_ref[1] * sc, 0.0)

    return pl.pallas_call(
        body,
        grid=(N_NODES // B,),
        in_specs=[
            pl.BlockSpec((2, B, 16), lambda i: (0, i, 0)),
            pl.BlockSpec((2, B, HALF), lambda i: (0, i, 0)),
        ],
        out_specs=pl.BlockSpec((B, OUT_DIM), lambda i: (i, 0)),
        out_shape=jax.ShapeDtypeStruct((N_NODES, OUT_DIM), jnp.float32),
    )(d16, aggp)


def kernel(feats_n, edges, W):
    e3 = edges.astype(jnp.int32).reshape(2, N_EDGES // BLK, BLK)

    y = _tc_mm(feats_n, W)
    d16 = _sc_hist(e3)
    scaled = _tc_scale(d16, y)
    scaled2 = scaled.reshape(2 * N_NODES, HALF)
    aggp = _sc_agg(scaled2, e3)
    return _tc_out(d16, aggp)

# --- scband reference (transcript-rebuilt; emitter-appended) ---
"""Pipeline reference for scband-gcnlayer-86483461472648 (READ-ONLY COPY).

The authoritative reference and input builder live on the scoring server;
editing this copy changes nothing except your own understanding.
"""

import jax, jax.numpy as jnp
import numpy as np
import math

N_NODES = 10000
N_EDGES = 160000
IN_DIM = 256
OUT_DIM = 256

def setup_inputs(seed: int = 0) -> dict:
    key = jax.random.key(seed)
    k1, k2, k3 = jax.random.split(key, 3)
    feats_n = jax.random.normal(k1, (N_NODES, IN_DIM), dtype=jnp.float32)
    edges = jax.random.randint(k2, (2, N_EDGES), 0, N_NODES, dtype=jnp.int64)
    # Linear layer weight: normal init scaled by 1/sqrt(out_dim), no bias
    W = jax.random.normal(k3, (OUT_DIM, IN_DIM), dtype=jnp.float32) / math.sqrt(OUT_DIM)
    return {"feats_n": feats_n, "edges": edges, "W": W}

def reference(feats_n, edges, W):
    # GCNLayer.forward / message_passing with act_func=relu, weight_free=False
    hs = edges[0]
    ts = edges[1]
    N_n = feats_n.shape[0]
    # D = row-sums of sparse adjacency adj[hs, ts] = 1 (duplicates summed, as in
    # uncoalesced torch.sparse)
    ones = jnp.ones(hs.shape[0], dtype=feats_n.dtype)
    D = jnp.zeros((N_n,), dtype=feats_n.dtype).at[hs].add(ones).reshape(-1, 1)
    sqrt_d_inv = D ** (-0.5)
    scaled = sqrt_d_inv * feats_n
    # torch.sparse.mm(adj, scaled): out[i] = sum_{edges (i, t)} scaled[t]
    agg = jnp.zeros_like(feats_n).at[hs].add(scaled[ts])
    to_feats_n = sqrt_d_inv * agg
    # Linear without bias: x @ W.T
    out = to_feats_n @ W.T
    return jax.nn.relu(out)

if __name__ == "__main__":
    import jax
    _d = setup_inputs()
    print(jax.jit(kernel)(*tuple(_d.values())))

</pallas_src>

<mosaic_0001>
#map = affine_map<(d0, d1) -> (0, 0)>
#map1 = affine_map<(d0, d1) -> (0, 0, 0)>
module attributes {stable_mosaic.version = 14 : i64} {
  func.func @_sc_agg(%arg0: i32, %arg1: i32, %arg2: memref<20000x128xf32, #tpu.memory_space<hbm>>, %arg3: memref<2x1280x125xi32, #tpu.memory_space<hbm>>, %arg4: memref<2x10240x128xf32, #tpu.memory_space<hbm>>, %arg5: memref<40x125xi32, #tpu.memory_space<vmem>>, %arg6: memref<40x125xi32, #tpu.memory_space<vmem>>, %arg7: memref<125x128xf32, #tpu.memory_space<vmem>>, %arg8: memref<125x128xf32, #tpu.memory_space<vmem>>, %arg9: memref<10240x128xf32, #tpu.memory_space<vmem_shared>>, %arg10: memref<!tpu.dma_semaphore, #tpu.memory_space<semaphore_mem>>, %arg11: memref<!tpu.dma_semaphore, #tpu.memory_space<semaphore_mem>>) attributes {dimension_semantics = [#tpu.dimension_semantics<core_parallel>, #tpu.dimension_semantics<subcore_parallel>], iteration_bounds = array<i64: 2, 16>, scalar_prefetch = 0 : i64, scratch_operands = 7 : i64, tpu.core_type = #tpu.core_type<sc_vector_subcore>, window_params = [{transform_indices = #map}, {transform_indices = #map1}, {transform_indices = #map1}]} {
    %scan3A = arith.constant 0 : i32
    %scan3A_0 = arith.constant 125 : i32
    %scan3A_1 = arith.addi %scan3A, %scan3A_0 : i32
    %scan3A_2 = arith.constant 1 : i32
    scf.for %scan3A_78 = %scan3A to %scan3A_1 step %scan3A_2  : i32 {
      %mul3A_79 = arith.constant 1 : i32
      %mul3A_80 = arith.muli %scan3A_78, %mul3A_79 : i32
      %add3A_81 = arith.constant 0 : i32
      %add3A_82 = arith.addi %add3A_81, %mul3A_80 : i32
      %scan3A_83 = arith.constant 0 : i32
      %scan3A_84 = arith.constant 8 : i32
      %scan3A_85 = arith.addi %scan3A_83, %scan3A_84 : i32
      %scan3A_86 = arith.constant 1 : i32
      scf.for %scan3A_88 = %scan3A_83 to %scan3A_85 step %scan3A_86  : i32 {
        %mul3A_89 = arith.constant 1 : i32
        %mul3A_90 = arith.muli %scan3A_88, %mul3A_89 : i32
        %add3A_91 = arith.constant 0 : i32
        %add3A_92 = arith.addi %add3A_91, %mul3A_90 : i32
        %broadcast_in_dim3A = arith.constant 0.000000e+00 : f32
        %broadcast_in_dim3A_93 = vector.broadcast %broadcast_in_dim3A : f32 to vector<16xf32>
        %mul3A_94 = arith.constant 16 : i32
        %mul3A_95 = arith.muli %add3A_92, %mul3A_94 : i32
        %swap3A = arith.index_cast %add3A_82 : i32 to index
        %swap3A_96 = arith.index_cast %mul3A_95 : i32 to index
        %swap3A_97 = tpu.vector_load %arg7[%swap3A, %swap3A_96] {strides = array<i32>} : memref<125x128xf32, #tpu.memory_space<vmem>>, vector<1x16xf32>,
        %swap3A_98 = vector.shape_cast %swap3A_97 : vector<1x16xf32> to vector<16xf32>
        %swap3A_99 = vector.shape_cast %broadcast_in_dim3A_93 : vector<16xf32> to vector<1x16xf32>
        tpu.vector_store %arg7[%swap3A, %swap3A_96], %swap3A_99 {strides = array<i32>} : memref<125x128xf32, #tpu.memory_space<vmem>>, vector<1x16xf32>,
      }
      %scan3A_87 = arith.constant 8 : i32
    }
    %scan3A_3 = arith.constant 125 : i32
    %scan3A_4 = arith.constant 0 : i32
    %scan3A_5 = arith.constant 8 : i32
    %scan3A_6 = arith.addi %scan3A_4, %scan3A_5 : i32
    %scan3A_7 = arith.constant 1 : i32
    scf.for %scan3A_78 = %scan3A_4 to %scan3A_6 step %scan3A_7  : i32 {
      %mul3A_79 = arith.constant 1 : i32
      %mul3A_80 = arith.muli %scan3A_78, %mul3A_79 : i32
      %add3A_81 = arith.constant 0 : i32
      %add3A_82 = arith.addi %add3A_81, %mul3A_80 : i32
      %mul3A_83 = arith.constant 640 : i32
      %mul3A_84 = arith.muli %arg1, %mul3A_83 : i32
      %mul3A_85 = arith.constant 80 : i32
      %mul3A_86 = arith.muli %add3A_82, %mul3A_85 : i32
      %add3A_87 = arith.addi %mul3A_84, %mul3A_86 : i32
      "tpu.region"() ({
        %run_scoped3A_88 = tpu.sem_alloc : memref<!tpu.dma_semaphore, #tpu.memory_space<semaphore_mem>>
        %dma_start3A_89 = arith.constant 0 : i32
        %dma_start3A_90 = arith.constant 0 : i32
        %dma_start3A_91 = tpu.memref_slice %arg7[%dma_start3A_89, %dma_start3A_90] : memref<125x128xf32, #tpu.memory_space<vmem>> -> memref<80x128xf32, #tpu.memory_space<vmem>>
        %dma_start3A_92 = arith.constant 0 : i32
        %dma_start3A_93 = tpu.memref_slice %arg9[%add3A_87, %dma_start3A_92] : memref<10240x128xf32, #tpu.memory_space<vmem_shared>> -> memref<80x128xf32, #tpu.memory_space<vmem_shared>>
        %dma_start3A_94 = arith.constant 0 : i32
        %dma_start3A_95 = tpu.memref_slice %arg9[%add3A_87, %dma_start3A_94] : memref<10240x128xf32, #tpu.memory_space<vmem_shared>> -> memref<80x128xf32, #tpu.memory_space<vmem_shared>>
        %dma_start3A_96 = arith.constant 0 : i32
        %dma_start3A_97 = arith.constant 0 : i32
        %dma_start3A_98 = tpu.memref_slice %arg7[%dma_start3A_96, %dma_start3A_97] : memref<125x128xf32, #tpu.memory_space<vmem>> -> memref<80x128xf32, #tpu.memory_space<vmem>>
        tpu.enqueue_dma source(%dma_start3A_98 : memref<80x128xf32, #tpu.memory_space<vmem>>) target(%dma_start3A_95 : memref<80x128xf32, #tpu.memory_space<vmem_shared>>) target_semaphore(%run_scoped3A_88 : memref<!tpu.dma_semaphore, #tpu.memory_space<semaphore_mem>>)
        %dma_wait3A = arith.constant 0 : i32
        %dma_wait3A_99 = arith.constant 0 : i32
        %dma_wait3A_100 = tpu.memref_slice %arg7[%dma_wait3A, %dma_wait3A_99] : memref<125x128xf32, #tpu.memory_space<vmem>> -> memref<80x128xf32, #tpu.memory_space<vmem>>
        %dma_wait3A_101 = arith.constant 0 : i32
        %dma_wait3A_102 = tpu.memref_slice %arg9[%add3A_87, %dma_wait3A_101] : memref<10240x128xf32, #tpu.memory_space<vmem_shared>> -> memref<80x128xf32, #tpu.memory_space<vmem_shared>>
        %dma_wait3A_103 = arith.constant 0 : i32
        %dma_wait3A_104 = tpu.memref_slice %arg9[%add3A_87, %dma_wait3A_103] : memref<10240x128xf32, #tpu.memory_space<vmem_shared>> -> memref<80x128xf32, #tpu.memory_space<vmem_shared>>
        %dma_wait3A_105 = arith.constant 0 : i32
        %dma_wait3A_106 = arith.constant 0 : i32
        %dma_wait3A_107 = tpu.memref_slice %arg7[%dma_wait3A_105, %dma_wait3A_106] : memref<125x128xf32, #tpu.memory_space<vmem>> -> memref<80x128xf32, #tpu.memory_space<vmem>>
        tpu.wait_dma2 semaphore(%run_scoped3A_88 : memref<!tpu.dma_semaphore, #tpu.memory_space<semaphore_mem>>) src(%dma_wait3A_107 : memref<80x128xf32, #tpu.memory_space<vmem>>) dst(%dma_wait3A_104 : memref<80x128xf32, #tpu.memory_space<vmem_shared>>)
        tpu.yield
      }) : () -> ()
    }
    %scan3A_8 = arith.constant 8 : i32
    %barrier3A = arith.constant 0 : index
    tpu.barrier barrier_id(%barrier3A)
    %mul3A = arith.constant 10000 : i32
    %mul3A_9 = arith.muli %arg0, %mul3A : i32
    %mul3A_10 = arith.constant 80 : i32
    %mul3A_11 = arith.muli %arg1, %mul3A_10 : i32
    %add3A = arith.constant 0 : i32
    %add3A_12 = arith.addi %mul3A_11, %add3A : i32
    %run_scoped3A = arith.constant 1 : i32
    "tpu.region"() ({
      %run_scoped3A_78 = tpu.sem_alloc : memref<!tpu.dma_semaphore, #tpu.memory_space<semaphore_mem>>
      %dma_start3A_79 = arith.constant 0 : i32
      %dma_start3A_80 = arith.constant 0 : i32
      %dma_start3A_81 = tpu.memref_slice %arg3[%run_scoped3A, %dma_start3A_79, %dma_start3A_80] : memref<2x1280x125xi32, #tpu.memory_space<hbm>> -> memref<1x1280x125xi32, #tpu.memory_space<hbm>>
      %dma_start3A_82 = tpu.memref_squeeze %dma_start3A_81 : memref<1x1280x125xi32, #tpu.memory_space<hbm>> -> memref<1280x125xi32, #tpu.memory_space<hbm>>
      %dma_start3A_83 = arith.constant 0 : i32
      %dma_start3A_84 = tpu.memref_slice %dma_start3A_82[%add3A_12, %dma_start3A_83] : memref<1280x125xi32, #tpu.memory_space<hbm>> -> memref<40x125xi32, #tpu.memory_space<hbm>>
      %dma_start3A_85 = arith.constant 0 : i32
      %dma_start3A_86 = arith.constant 0 : i32
      %dma_start3A_87 = tpu.memref_slice %arg3[%run_scoped3A, %dma_start3A_85, %dma_start3A_86] : memref<2x1280x125xi32, #tpu.memory_space<hbm>> -> memref<1x1280x125xi32, #tpu.memory_space<hbm>>
      %dma_start3A_88 = tpu.memref_squeeze %dma_start3A_87 : memref<1x1280x125xi32, #tpu.memory_space<hbm>> -> memref<1280x125xi32, #tpu.memory_space<hbm>>
      %dma_start3A_89 = arith.constant 0 : i32
      %dma_start3A_90 = tpu.memref_slice %dma_start3A_88[%add3A_12, %dma_start3A_89] : memref<1280x125xi32, #tpu.memory_space<hbm>> -> memref<40x125xi32, #tpu.memory_space<hbm>>
      tpu.enqueue_dma source(%dma_start3A_90 : memref<40x125xi32, #tpu.memory_space<hbm>>) target(%arg5 : memref<40x125xi32, #tpu.memory_space<vmem>>) target_semaphore(%run_scoped3A_78 : memref<!tpu.dma_semaphore, #tpu.memory_space<semaphore_mem>>)
      %dma_wait3A = arith.constant 0 : i32
      %dma_wait3A_91 = arith.constant 0 : i32
      %dma_wait3A_92 = tpu.memref_slice %arg3[%run_scoped3A, %dma_wait3A, %dma_wait3A_91] : memref<2x1280x125xi32, #tpu.memory_space<hbm>> -> memref<1x1280x125xi32, #tpu.memory_space<hbm>>
      %dma_wait3A_93 = tpu.memref_squeeze %dma_wait3A_92 : memref<1x1280x125xi32, #tpu.memory_space<hbm>> -> memref<1280x125xi32, #tpu.memory_space<hbm>>
      %dma_wait3A_94 = arith.constant 0 : i32
      %dma_wait3A_95 = tpu.memref_slice %dma_wait3A_93[%add3A_12, %dma_wait3A_94] : memref<1280x125xi32, #tpu.memory_space<hbm>> -> memref<40x125xi32, #tpu.memory_space<hbm>>
      %dma_wait3A_96 = arith.constant 0 : i32
      %dma_wait3A_97 = arith.constant 0 : i32
      %dma_wait3A_98 = tpu.memref_slice %arg3[%run_scoped3A, %dma_wait3A_96, %dma_wait3A_97] : memref<2x1280x125xi32, #tpu.memory_space<hbm>> -> memref<1x1280x125xi32, #tpu.memory_space<hbm>>
      %dma_wait3A_99 = tpu.memref_squeeze %dma_wait3A_98 : memref<1x1280x125xi32, #tpu.memory_space<hbm>> -> memref<1280x125xi32, #tpu.memory_space<hbm>>
      %dma_wait3A_100 = arith.constant 0 : i32
      %dma_wait3A_101 = tpu.memref_slice %dma_wait3A_99[%add3A_12, %dma_wait3A_100] : memref<1280x125xi32, #tpu.memory_space<hbm>> -> memref<40x125xi32, #tpu.memory_space<hbm>>
      tpu.wait_dma2 semaphore(%run_scoped3A_78 : memref<!tpu.dma_semaphore, #tpu.memory_space<semaphore_mem>>) src(%dma_wait3A_101 : memref<40x125xi32, #tpu.memory_space<hbm>>) dst(%arg5 : memref<40x125xi32, #tpu.memory_space<vmem>>)
      tpu.yield
    }) : () -> ()
    %mul3A_13 = arith.constant 80 : i32
    %mul3A_14 = arith.muli %arg1, %mul3A_13 : i32
    %add3A_15 = arith.constant 0 : i32
    %add3A_16 = arith.addi %mul3A_14, %add3A_15 : i32
    %run_scoped3A_17 = arith.constant 0 : i32
    "tpu.region"() ({
      %run_scoped3A_78 = tpu.sem_alloc : memref<!tpu.dma_semaphore, #tpu.memory_space<semaphore_mem>>
      %dma_start3A_79 = arith.constant 0 : i32
      %dma_start3A_80 = arith.constant 0 : i32
      %dma_start3A_81 = tpu.memref_slice %arg3[%run_scoped3A_17, %dma_start3A_79, %dma_start3A_80] : memref<2x1280x125xi32, #tpu.memory_space<hbm>> -> memref<1x1280x125xi32, #tpu.memory_space<hbm>>
      %dma_start3A_82 = tpu.memref_squeeze %dma_start3A_81 : memref<1x1280x125xi32, #tpu.memory_space<hbm>> -> memref<1280x125xi32, #tpu.memory_space<hbm>>
      %dma_start3A_83 = arith.constant 0 : i32
      %dma_start3A_84 = tpu.memref_slice %dma_start3A_82[%add3A_16, %dma_start3A_83] : memref<1280x125xi32, #tpu.memory_space<hbm>> -> memref<40x125xi32, #tpu.memory_space<hbm>>
      %dma_start3A_85 = arith.constant 0 : i32
      %dma_start3A_86 = arith.constant 0 : i32
      %dma_start3A_87 = tpu.memref_slice %arg3[%run_scoped3A_17, %dma_start3A_85, %dma_start3A_86] : memref<2x1280x125xi32, #tpu.memory_space<hbm>> -> memref<1x1280x125xi32, #tpu.memory_space<hbm>>
      %dma_start3A_88 = tpu.memref_squeeze %dma_start3A_87 : memref<1x1280x125xi32, #tpu.memory_space<hbm>> -> memref<1280x125xi32, #tpu.memory_space<hbm>>
      %dma_start3A_89 = arith.constant 0 : i32
      %dma_start3A_90 = tpu.memref_slice %dma_start3A_88[%add3A_16, %dma_start3A_89] : memref<1280x125xi32, #tpu.memory_space<hbm>> -> memref<40x125xi32, #tpu.memory_space<hbm>>
      tpu.enqueue_dma source(%dma_start3A_90 : memref<40x125xi32, #tpu.memory_space<hbm>>) target(%arg6 : memref<40x125xi32, #tpu.memory_space<vmem>>) target_semaphore(%run_scoped3A_78 : memref<!tpu.dma_semaphore, #tpu.memory_space<semaphore_mem>>)
      %dma_wait3A = arith.constant 0 : i32
      %dma_wait3A_91 = arith.constant 0 : i32
      %dma_wait3A_92 = tpu.memref_slice %arg3[%run_scoped3A_17, %dma_wait3A, %dma_wait3A_91] : memref<2x1280x125xi32, #tpu.memory_space<hbm>> -> memref<1x1280x125xi32, #tpu.memory_space<hbm>>
      %dma_wait3A_93 = tpu.memref_squeeze %dma_wait3A_92 : memref<1x1280x125xi32, #tpu.memory_space<hbm>> -> memref<1280x125xi32, #tpu.memory_space<hbm>>
      %dma_wait3A_94 = arith.constant 0 : i32
      %dma_wait3A_95 = tpu.memref_slice %dma_wait3A_93[%add3A_16, %dma_wait3A_94] : memref<1280x125xi32, #tpu.memory_space<hbm>> -> memref<40x125xi32, #tpu.memory_space<hbm>>
      %dma_wait3A_96 = arith.constant 0 : i32
      %dma_wait3A_97 = arith.constant 0 : i32
      %dma_wait3A_98 = tpu.memref_slice %arg3[%run_scoped3A_17, %dma_wait3A_96, %dma_wait3A_97] : memref<2x1280x125xi32, #tpu.memory_space<hbm>> -> memref<1x1280x125xi32, #tpu.memory_space<hbm>>
      %dma_wait3A_99 = tpu.memref_squeeze %dma_wait3A_98 : memref<1x1280x125xi32, #tpu.memory_space<hbm>> -> memref<1280x125xi32, #tpu.memory_space<hbm>>
      %dma_wait3A_100 = arith.constant 0 : i32
      %dma_wait3A_101 = tpu.memref_slice %dma_wait3A_99[%add3A_16, %dma_wait3A_100] : memref<1280x125xi32, #tpu.memory_space<hbm>> -> memref<40x125xi32, #tpu.memory_space<hbm>>
      tpu.wait_dma2 semaphore(%run_scoped3A_78 : memref<!tpu.dma_semaphore, #tpu.memory_space<semaphore_mem>>) src(%dma_wait3A_101 : memref<40x125xi32, #tpu.memory_space<hbm>>) dst(%arg6 : memref<40x125xi32, #tpu.memory_space<vmem>>)
      tpu.yield
    }) : () -> ()
    %dma_start3A = arith.constant 0 : i32
    %dma_start3A_18 = arith.constant 0 : i32
    %dma_start3A_19 = tpu.memref_slice %arg5[%dma_start3A, %dma_start3A_18] : memref<40x125xi32, #tpu.memory_space<vmem>> -> memref<1x125xi32, #tpu.memory_space<vmem>>
    %dma_start3A_20 = tpu.memref_squeeze %dma_start3A_19 : memref<1x125xi32, #tpu.memory_space<vmem>> -> memref<125xi32, #tpu.memory_space<vmem>>
    %dma_start3A_21 = arith.constant 0 : i32
    %dma_start3A_22 = tpu.memref_slice %arg2[%mul3A_9, %dma_start3A_21] : memref<20000x128xf32, #tpu.memory_space<hbm>> -> memref<10000x128xf32, #tpu.memory_space<hbm>>
    %dma_start3A_23 = arith.constant 0 : i32
    %dma_start3A_24 = arith.constant 0 : i32
    %dma_start3A_25 = tpu.memref_slice %dma_start3A_22[%dma_start3A_23, %dma_start3A_24] : memref<10000x128xf32, #tpu.memory_space<hbm>> -> memref<10000x128xf32, #tpu.memory_space<hbm>>
    tpu.enqueue_indirect_dma source(%dma_start3A_25 : memref<10000x128xf32, #tpu.memory_space<hbm>>) target(%arg7 : memref<125x128xf32, #tpu.memory_space<vmem>>) offsets(%dma_start3A_20 : memref<125xi32, #tpu.memory_space<vmem>>) semaphore(%arg10 : memref<!tpu.dma_semaphore, #tpu.memory_space<semaphore_mem>>)
    %dma_start3A_26 = arith.constant 1 : i32
    %dma_start3A_27 = arith.constant 0 : i32
    %dma_start3A_28 = tpu.memref_slice %arg5[%dma_start3A_26, %dma_start3A_27] : memref<40x125xi32, #tpu.memory_space<vmem>> -> memref<1x125xi32, #tpu.memory_space<vmem>>
    %dma_start3A_29 = tpu.memref_squeeze %dma_start3A_28 : memref<1x125xi32, #tpu.memory_space<vmem>> -> memref<125xi32, #tpu.memory_space<vmem>>
    %dma_start3A_30 = arith.constant 0 : i32
    %dma_start3A_31 = tpu.memref_slice %arg2[%mul3A_9, %dma_start3A_30] : memref<20000x128xf32, #tpu.memory_space<hbm>> -> memref<10000x128xf32, #tpu.memory_space<hbm>>
    %dma_start3A_32 = arith.constant 0 : i32
    %dma_start3A_33 = arith.constant 0 : i32
    %dma_start3A_34 = tpu.memref_slice %dma_start3A_31[%dma_start3A_32, %dma_start3A_33] : memref<10000x128xf32, #tpu.memory_space<hbm>> -> memref<10000x128xf32, #tpu.memory_space<hbm>>
    tpu.enqueue_indirect_dma source(%dma_start3A_34 : memref<10000x128xf32, #tpu.memory_space<hbm>>) target(%arg8 : memref<125x128xf32, #tpu.memory_space<vmem>>) offsets(%dma_start3A_29 : memref<125xi32, #tpu.memory_space<vmem>>) semaphore(%arg11 : memref<!tpu.dma_semaphore, #tpu.memory_space<semaphore_mem>>)
    %scan3A_35 = arith.constant 0 : i32
    %scan3A_36 = arith.constant 20 : i32
    %scan3A_37 = arith.addi %scan3A_35, %scan3A_36 : i32
    %scan3A_38 = arith.constant 1 : i32
    scf.for %scan3A_78 = %scan3A_35 to %scan3A_37 step %scan3A_38  : i32 {
      %mul3A_79 = arith.constant 1 : i32
      %mul3A_80 = arith.muli %scan3A_78, %mul3A_79 : i32
      %add3A_81 = arith.constant 0 : i32
      %add3A_82 = arith.addi %add3A_81, %mul3A_80 : i32
      %mul3A_83 = arith.constant 2 : i32
      %mul3A_84 = arith.muli %mul3A_83, %add3A_82 : i32
      %dma_wait3A = arith.constant 0 : i32
      %dma_wait3A_85 = tpu.memref_slice %arg5[%mul3A_84, %dma_wait3A] : memref<40x125xi32, #tpu.memory_space<vmem>> -> memref<1x125xi32, #tpu.memory_space<vmem>>
      %dma_wait3A_86 = tpu.memref_squeeze %dma_wait3A_85 : memref<1x125xi32, #tpu.memory_space<vmem>> -> memref<125xi32, #tpu.memory_space<vmem>>
      %dma_wait3A_87 = arith.constant 0 : i32
      %dma_wait3A_88 = tpu.memref_slice %arg2[%mul3A_9, %dma_wait3A_87] : memref<20000x128xf32, #tpu.memory_space<hbm>> -> memref<10000x128xf32, #tpu.memory_space<hbm>>
      %dma_wait3A_89 = arith.constant 0 : i32
      %dma_wait3A_90 = arith.constant 0 : i32
      %dma_wait3A_91 = tpu.memref_slice %dma_wait3A_88[%dma_wait3A_89, %dma_wait3A_90] : memref<10000x128xf32, #tpu.memory_space<hbm>> -> memref<10000x128xf32, #tpu.memory_space<hbm>>
      tpu.wait_indirect_dma semaphore(%arg10 : memref<!tpu.dma_semaphore, #tpu.memory_space<semaphore_mem>>) src(%dma_wait3A_91 : memref<10000x128xf32, #tpu.memory_space<hbm>>) dst(%arg7 : memref<125x128xf32, #tpu.memory_space<vmem>>)
      "tpu.region"() ({
        %run_scoped3A_113 = tpu.sem_alloc : memref<!tpu.dma_semaphore, #tpu.memory_space<semaphore_mem>>
        %dma_start3A_114 = arith.constant 0 : i32
        %dma_start3A_115 = tpu.memref_slice %arg6[%mul3A_84, %dma_start3A_114] : memref<40x125xi32, #tpu.memory_space<vmem>> -> memref<1x125xi32, #tpu.memory_space<vmem>>
        %dma_start3A_116 = tpu.memref_squeeze %dma_start3A_115 : memref<1x125xi32, #tpu.memory_space<vmem>> -> memref<125xi32, #tpu.memory_space<vmem>>
        %dma_start3A_117 = arith.constant 0 : i32
        %dma_start3A_118 = arith.constant 0 : i32
        %dma_start3A_119 = tpu.memref_slice %arg9[%dma_start3A_117, %dma_start3A_118] : memref<10240x128xf32, #tpu.memory_space<vmem_shared>> -> memref<10240x128xf32, #tpu.memory_space<vmem_shared>>
        tpu.enqueue_indirect_dma source(%arg7 : memref<125x128xf32, #tpu.memory_space<vmem>>) target(%dma_start3A_119 : memref<10240x128xf32, #tpu.memory_space<vmem_shared>>) offsets(%dma_start3A_116 : memref<125xi32, #tpu.memory_space<vmem>>) semaphore(%run_scoped3A_113 : memref<!tpu.dma_semaphore, #tpu.memory_space<semaphore_mem>>) {add = true}
        %dma_wait3A_120 = arith.constant 0 : i32
        %dma_wait3A_121 = tpu.memref_slice %arg6[%mul3A_84, %dma_wait3A_120] : memref<40x125xi32, #tpu.memory_space<vmem>> -> memref<1x125xi32, #tpu.memory_space<vmem>>
        %dma_wait3A_122 = tpu.memref_squeeze %dma_wait3A_121 : memref<1x125xi32, #tpu.memory_space<vmem>> -> memref<125xi32, #tpu.memory_space<vmem>>
        %dma_wait3A_123 = arith.constant 0 : i32
        %dma_wait3A_124 = arith.constant 0 : i32
        %dma_wait3A_125 = tpu.memref_slice %arg9[%dma_wait3A_123, %dma_wait3A_124] : memref<10240x128xf32, #tpu.memory_space<vmem_shared>> -> memref<10240x128xf32, #tpu.memory_space<vmem_shared>>
        tpu.wait_indirect_dma semaphore(%run_scoped3A_113 : memref<!tpu.dma_semaphore, #tpu.memory_space<semaphore_mem>>) src(%arg7 : memref<125x128xf32, #tpu.memory_space<vmem>>) dst(%dma_wait3A_125 : memref<10240x128xf32, #tpu.memory_space<vmem_shared>>)
        tpu.yield
      }) : () -> ()
      %add3A_92 = arith.constant 2 : i32
      %add3A_93 = arith.addi %mul3A_84, %add3A_92 : i32
      %lt3A = arith.constant 40 : i32
      %lt3A_94 = arith.cmpi slt, %add3A_93, %lt3A : i32
      %convert_element_type3A = arith.extui %lt3A_94 : i1 to i32
      %cond3A = arith.constant 0 : i32
      %cond3A_95 = arith.cmpi ne, %convert_element_type3A, %cond3A : i32
      scf.if %cond3A_95 {
        %add3A_113 = arith.constant 2 : i32
        %add3A_114 = arith.addi %mul3A_84, %add3A_113 : i32
        %dma_start3A_115 = arith.constant 0 : i32
        %dma_start3A_116 = tpu.memref_slice %arg5[%add3A_114, %dma_start3A_115] : memref<40x125xi32, #tpu.memory_space<vmem>> -> memref<1x125xi32, #tpu.memory_space<vmem>>
        %dma_start3A_117 = tpu.memref_squeeze %dma_start3A_116 : memref<1x125xi32, #tpu.memory_space<vmem>> -> memref<125xi32, #tpu.memory_space<vmem>>
        %dma_start3A_118 = arith.constant 0 : i32
        %dma_start3A_119 = tpu.memref_slice %arg2[%mul3A_9, %dma_start3A_118] : memref<20000x128xf32, #tpu.memory_space<hbm>> -> memref<10000x128xf32, #tpu.memory_space<hbm>>
        %dma_start3A_120 = arith.constant 0 : i32
        %dma_start3A_121 = arith.constant 0 : i32
        %dma_start3A_122 = tpu.memref_slice %dma_start3A_119[%dma_start3A_120, %dma_start3A_121] : memref<10000x128xf32, #tpu.memory_space<hbm>> -> memref<10000x128xf32, #tpu.memory_space<hbm>>
        tpu.enqueue_indirect_dma source(%dma_start3A_122 : memref<10000x128xf32, #tpu.memory_space<hbm>>) target(%arg7 : memref<125x128xf32, #tpu.memory_space<vmem>>) offsets(%dma_start3A_117 : memref<125xi32, #tpu.memory_space<vmem>>) semaphore(%arg10 : memref<!tpu.dma_semaphore, #tpu.memory_space<semaphore_mem>>)
      } else {
      }
      %add3A_96 = arith.constant 1 : i32
      %add3A_97 = arith.addi %mul3A_84, %add3A_96 : i32
      %dma_wait3A_98 = arith.constant 0 : i32
      %dma_wait3A_99 = tpu.memref_slice %arg5[%add3A_97, %dma_wait3A_98] : memref<40x125xi32, #tpu.memory_space<vmem>> -> memref<1x125xi32, #tpu.memory_space<vmem>>
      %dma_wait3A_100 = tpu.memref_squeeze %dma_wait3A_99 : memref<1x125xi32, #tpu.memory_space<vmem>> -> memref<125xi32, #tpu.memory_space<vmem>>
      %dma_wait3A_101 = arith.constant 0 : i32
      %dma_wait3A_102 = tpu.memref_slice %arg2[%mul3A_9, %dma_wait3A_101] : memref<20000x128xf32, #tpu.memory_space<hbm>> -> memref<10000x128xf32, #tpu.memory_space<hbm>>
      %dma_wait3A_103 = arith.constant 0 : i32
      %dma_wait3A_104 = arith.constant 0 : i32
      %dma_wait3A_105 = tpu.memref_slice %dma_wait3A_102[%dma_wait3A_103, %dma_wait3A_104] : memref<10000x128xf32, #tpu.memory_space<hbm>> -> memref<10000x128xf32, #tpu.memory_space<hbm>>
      tpu.wait_indirect_dma semaphore(%arg11 : memref<!tpu.dma_semaphore, #tpu.memory_space<semaphore_mem>>) src(%dma_wait3A_105 : memref<10000x128xf32, #tpu.memory_space<hbm>>) dst(%arg8 : memref<125x128xf32, #tpu.memory_space<vmem>>)
      "tpu.region"() ({
        %run_scoped3A_113 = tpu.sem_alloc : memref<!tpu.dma_semaphore, #tpu.memory_space<semaphore_mem>>
        %dma_start3A_114 = arith.constant 0 : i32
        %dma_start3A_115 = tpu.memref_slice %arg6[%add3A_97, %dma_start3A_114] : memref<40x125xi32, #tpu.memory_space<vmem>> -> memref<1x125xi32, #tpu.memory_space<vmem>>
        %dma_start3A_116 = tpu.memref_squeeze %dma_start3A_115 : memref<1x125xi32, #tpu.memory_space<vmem>> -> memref<125xi32, #tpu.memory_space<vmem>>
        %dma_start3A_117 = arith.constant 0 : i32
        %dma_start3A_118 = arith.constant 0 : i32
        %dma_start3A_119 = tpu.memref_slice %arg9[%dma_start3A_117, %dma_start3A_118] : memref<10240x128xf32, #tpu.memory_space<vmem_shared>> -> memref<10240x128xf32, #tpu.memory_space<vmem_shared>>
        tpu.enqueue_indirect_dma source(%arg8 : memref<125x128xf32, #tpu.memory_space<vmem>>) target(%dma_start3A_119 : memref<10240x128xf32, #tpu.memory_space<vmem_shared>>) offsets(%dma_start3A_116 : memref<125xi32, #tpu.memory_space<vmem>>) semaphore(%run_scoped3A_113 : memref<!tpu.dma_semaphore, #tpu.memory_space<semaphore_mem>>) {add = true}
        %dma_wait3A_120 = arith.constant 0 : i32
        %dma_wait3A_121 = tpu.memref_slice %arg6[%add3A_97, %dma_wait3A_120] : memref<40x125xi32, #tpu.memory_space<vmem>> -> memref<1x125xi32, #tpu.memory_space<vmem>>
        %dma_wait3A_122 = tpu.memref_squeeze %dma_wait3A_121 : memref<1x125xi32, #tpu.memory_space<vmem>> -> memref<125xi32, #tpu.memory_space<vmem>>
        %dma_wait3A_123 = arith.constant 0 : i32
        %dma_wait3A_124 = arith.constant 0 : i32
        %dma_wait3A_125 = tpu.memref_slice %arg9[%dma_wait3A_123, %dma_wait3A_124] : memref<10240x128xf32, #tpu.memory_space<vmem_shared>> -> memref<10240x128xf32, #tpu.memory_space<vmem_shared>>
        tpu.wait_indirect_dma semaphore(%run_scoped3A_113 : memref<!tpu.dma_semaphore, #tpu.memory_space<semaphore_mem>>) src(%arg8 : memref<125x128xf32, #tpu.memory_space<vmem>>) dst(%dma_wait3A_125 : memref<10240x128xf32, #tpu.memory_space<vmem_shared>>)
        tpu.yield
      }) : () -> ()
      %add3A_106 = arith.constant 2 : i32
      %add3A_107 = arith.addi %add3A_97, %add3A_106 : i32
      %lt3A_108 = arith.constant 40 : i32
      %lt3A_109 = arith.cmpi slt, %add3A_107, %lt3A_108 : i32
      %convert_element_type3A_110 = arith.extui %lt3A_109 : i1 to i32
      %cond3A_111 = arith.constant 0 : i32
      %cond3A_112 = arith.cmpi ne, %convert_element_type3A_110, %cond3A_111 : i32
      scf.if %cond3A_112 {
        %add3A_113 = arith.constant 2 : i32
        %add3A_114 = arith.addi %add3A_97, %add3A_113 : i32
        %dma_start3A_115 = arith.constant 0 : i32
        %dma_start3A_116 = tpu.memref_slice %arg5[%add3A_114, %dma_start3A_115] : memref<40x125xi32, #tpu.memory_space<vmem>> -> memref<1x125xi32, #tpu.memory_space<vmem>>
        %dma_start3A_117 = tpu.memref_squeeze %dma_start3A_116 : memref<1x125xi32, #tpu.memory_space<vmem>> -> memref<125xi32, #tpu.memory_space<vmem>>
        %dma_start3A_118 = arith.constant 0 : i32
        %dma_start3A_119 = tpu.memref_slice %arg2[%mul3A_9, %dma_start3A_118] : memref<20000x128xf32, #tpu.memory_space<hbm>> -> memref<10000x128xf32, #tpu.memory_space<hbm>>
        %dma_start3A_120 = arith.constant 0 : i32
        %dma_start3A_121 = arith.constant 0 : i32
        %dma_start3A_122 = tpu.memref_slice %dma_start3A_119[%dma_start3A_120, %dma_start3A_121] : memref<10000x128xf32, #tpu.memory_space<hbm>> -> memref<10000x128xf32, #tpu.memory_space<hbm>>
        tpu.enqueue_indirect_dma source(%dma_start3A_122 : memref<10000x128xf32, #tpu.memory_space<hbm>>) target(%arg8 : memref<125x128xf32, #tpu.memory_space<vmem>>) offsets(%dma_start3A_117 : memref<125xi32, #tpu.memory_space<vmem>>) semaphore(%arg11 : memref<!tpu.dma_semaphore, #tpu.memory_space<semaphore_mem>>)
      } else {
      }
    }
    %scan3A_39 = arith.constant 20 : i32
    %mul3A_40 = arith.constant 80 : i32
    %mul3A_41 = arith.muli %arg1, %mul3A_40 : i32
    %add3A_42 = arith.constant 40 : i32
    %add3A_43 = arith.addi %mul3A_41, %add3A_42 : i32
    %run_scoped3A_44 = arith.constant 1 : i32
    "tpu.region"() ({
      %run_scoped3A_78 = tpu.sem_alloc : memref<!tpu.dma_semaphore, #tpu.memory_space<semaphore_mem>>
      %dma_start3A_79 = arith.constant 0 : i32
      %dma_start3A_80 = arith.constant 0 : i32
      %dma_start3A_81 = tpu.memref_slice %arg3[%run_scoped3A_44, %dma_start3A_79, %dma_start3A_80] : memref<2x1280x125xi32, #tpu.memory_space<hbm>> -> memref<1x1280x125xi32, #tpu.memory_space<hbm>>
      %dma_start3A_82 = tpu.memref_squeeze %dma_start3A_81 : memref<1x1280x125xi32, #tpu.memory_space<hbm>> -> memref<1280x125xi32, #tpu.memory_space<hbm>>
      %dma_start3A_83 = arith.constant 0 : i32
      %dma_start3A_84 = tpu.memref_slice %dma_start3A_82[%add3A_43, %dma_start3A_83] : memref<1280x125xi32, #tpu.memory_space<hbm>> -> memref<40x125xi32, #tpu.memory_space<hbm>>
      %dma_start3A_85 = arith.constant 0 : i32
      %dma_start3A_86 = arith.constant 0 : i32
      %dma_start3A_87 = tpu.memref_slice %arg3[%run_scoped3A_44, %dma_start3A_85, %dma_start3A_86] : memref<2x1280x125xi32, #tpu.memory_space<hbm>> -> memref<1x1280x125xi32, #tpu.memory_space<hbm>>
      %dma_start3A_88 = tpu.memref_squeeze %dma_start3A_87 : memref<1x1280x125xi32, #tpu.memory_space<hbm>> -> memref<1280x125xi32, #tpu.memory_space<hbm>>
      %dma_start3A_89 = arith.constant 0 : i32
      %dma_start3A_90 = tpu.memref_slice %dma_start3A_88[%add3A_43, %dma_start3A_89] : memref<1280x125xi32, #tpu.memory_space<hbm>> -> memref<40x125xi32, #tpu.memory_space<hbm>>
      tpu.enqueue_dma source(%dma_start3A_90 : memref<40x125xi32, #tpu.memory_space<hbm>>) target(%arg5 : memref<40x125xi32, #tpu.memory_space<vmem>>) target_semaphore(%run_scoped3A_78 : memref<!tpu.dma_semaphore, #tpu.memory_space<semaphore_mem>>)
      %dma_wait3A = arith.constant 0 : i32
      %dma_wait3A_91 = arith.constant 0 : i32
      %dma_wait3A_92 = tpu.memref_slice %arg3[%run_scoped3A_44, %dma_wait3A, %dma_wait3A_91] : memref<2x1280x125xi32, #tpu.memory_space<hbm>> -> memref<1x1280x125xi32, #tpu.memory_space<hbm>>
      %dma_wait3A_93 = tpu.memref_squeeze %dma_wait3A_92 : memref<1x1280x125xi32, #tpu.memory_space<hbm>> -> memref<1280x125xi32, #tpu.memory_space<hbm>>
      %dma_wait3A_94 = arith.constant 0 : i32
      %dma_wait3A_95 = tpu.memref_slice %dma_wait3A_93[%add3A_43, %dma_wait3A_94] : memref<1280x125xi32, #tpu.memory_space<hbm>> -> memref<40x125xi32, #tpu.memory_space<hbm>>
      %dma_wait3A_96 = arith.constant 0 : i32
      %dma_wait3A_97 = arith.constant 0 : i32
      %dma_wait3A_98 = tpu.memref_slice %arg3[%run_scoped3A_44, %dma_wait3A_96, %dma_wait3A_97] : memref<2x1280x125xi32, #tpu.memory_space<hbm>> -> memref<1x1280x125xi32, #tpu.memory_space<hbm>>
      %dma_wait3A_99 = tpu.memref_squeeze %dma_wait3A_98 : memref<1x1280x125xi32, #tpu.memory_space<hbm>> -> memref<1280x125xi32, #tpu.memory_space<hbm>>
      %dma_wait3A_100 = arith.constant 0 : i32
      %dma_wait3A_101 = tpu.memref_slice %dma_wait3A_99[%add3A_43, %dma_wait3A_100] : memref<1280x125xi32, #tpu.memory_space<hbm>> -> memref<40x125xi32, #tpu.memory_space<hbm>>
      tpu.wait_dma2 semaphore(%run_scoped3A_78 : memref<!tpu.dma_semaphore, #tpu.memory_space<semaphore_mem>>) src(%dma_wait3A_101 : memref<40x125xi32, #tpu.memory_space<hbm>>) dst(%arg5 : memref<40x125xi32, #tpu.memory_space<vmem>>)
      tpu.yield
    }) : () -> ()
    %mul3A_45 = arith.constant 80 : i32
    %mul3A_46 = arith.muli %arg1, %mul3A_45 : i32
    %add3A_47 = arith.constant 40 : i32
    %add3A_48 = arith.addi %mul3A_46, %add3A_47 : i32
    %run_scoped3A_49 = arith.constant 0 : i32
    "tpu.region"() ({
      %run_scoped3A_78 = tpu.sem_alloc : memref<!tpu.dma_semaphore, #tpu.memory_space<semaphore_mem>>
      %dma_start3A_79 = arith.constant 0 : i32
      %dma_start3A_80 = arith.constant 0 : i32
      %dma_start3A_81 = tpu.memref_slice %arg3[%run_scoped3A_49, %dma_start3A_79, %dma_start3A_80] : memref<2x1280x125xi32, #tpu.memory_space<hbm>> -> memref<1x1280x125xi32, #tpu.memory_space<hbm>>
      %dma_start3A_82 = tpu.memref_squeeze %dma_start3A_81 : memref<1x1280x125xi32, #tpu.memory_space<hbm>> -> memref<1280x125xi32, #tpu.memory_space<hbm>>
      %dma_start3A_83 = arith.constant 0 : i32
      %dma_start3A_84 = tpu.memref_slice %dma_start3A_82[%add3A_48, %dma_start3A_83] : memref<1280x125xi32, #tpu.memory_space<hbm>> -> memref<40x125xi32, #tpu.memory_space<hbm>>
      %dma_start3A_85 = arith.constant 0 : i32
      %dma_start3A_86 = arith.constant 0 : i32
      %dma_start3A_87 = tpu.memref_slice %arg3[%run_scoped3A_49, %dma_start3A_85, %dma_start3A_86] : memref<2x1280x125xi32, #tpu.memory_space<hbm>> -> memref<1x1280x125xi32, #tpu.memory_space<hbm>>
      %dma_start3A_88 = tpu.memref_squeeze %dma_start3A_87 : memref<1x1280x125xi32, #tpu.memory_space<hbm>> -> memref<1280x125xi32, #tpu.memory_space<hbm>>
      %dma_start3A_89 = arith.constant 0 : i32
      %dma_start3A_90 = tpu.memref_slice %dma_start3A_88[%add3A_48, %dma_start3A_89] : memref<1280x125xi32, #tpu.memory_space<hbm>> -> memref<40x125xi32, #tpu.memory_space<hbm>>
      tpu.enqueue_dma source(%dma_start3A_90 : memref<40x125xi32, #tpu.memory_space<hbm>>) target(%arg6 : memref<40x125xi32, #tpu.memory_space<vmem>>) target_semaphore(%run_scoped3A_78 : memref<!tpu.dma_semaphore, #tpu.memory_space<semaphore_mem>>)
      %dma_wait3A = arith.constant 0 : i32
      %dma_wait3A_91 = arith.constant 0 : i32
      %dma_wait3A_92 = tpu.memref_slice %arg3[%run_scoped3A_49, %dma_wait3A, %dma_wait3A_91] : memref<2x1280x125xi32, #tpu.memory_space<hbm>> -> memref<1x1280x125xi32, #tpu.memory_space<hbm>>
      %dma_wait3A_93 = tpu.memref_squeeze %dma_wait3A_92 : memref<1x1280x125xi32, #tpu.memory_space<hbm>> -> memref<1280x125xi32, #tpu.memory_space<hbm>>
      %dma_wait3A_94 = arith.constant 0 : i32
      %dma_wait3A_95 = tpu.memref_slice %dma_wait3A_93[%add3A_48, %dma_wait3A_94] : memref<1280x125xi32, #tpu.memory_space<hbm>> -> memref<40x125xi32, #tpu.memory_space<hbm>>
      %dma_wait3A_96 = arith.constant 0 : i32
      %dma_wait3A_97 = arith.constant 0 : i32
      %dma_wait3A_98 = tpu.memref_slice %arg3[%run_scoped3A_49, %dma_wait3A_96, %dma_wait3A_97] : memref<2x1280x125xi32, #tpu.memory_space<hbm>> -> memref<1x1280x125xi32, #tpu.memory_space<hbm>>
      %dma_wait3A_99 = tpu.memref_squeeze %dma_wait3A_98 : memref<1x1280x125xi32, #tpu.memory_space<hbm>> -> memref<1280x125xi32, #tpu.memory_space<hbm>>
      %dma_wait3A_100 = arith.constant 0 : i32
      %dma_wait3A_101 = tpu.memref_slice %dma_wait3A_99[%add3A_48, %dma_wait3A_100] : memref<1280x125xi32, #tpu.memory_space<hbm>> -> memref<40x125xi32, #tpu.memory_space<hbm>>
      tpu.wait_dma2 semaphore(%run_scoped3A_78 : memref<!tpu.dma_semaphore, #tpu.memory_space<semaphore_mem>>) src(%dma_wait3A_101 : memref<40x125xi32, #tpu.memory_space<hbm>>) dst(%arg6 : memref<40x125xi32, #tpu.memory_space<vmem>>)
      tpu.yield
    }) : () -> ()
    %dma_start3A_50 = arith.constant 0 : i32
    %dma_start3A_51 = arith.constant 0 : i32
    %dma_start3A_52 = tpu.memref_slice %arg5[%dma_start3A_50, %dma_start3A_51] : memref<40x125xi32, #tpu.memory_space<vmem>> -> memref<1x125xi32, #tpu.memory_space<vmem>>
    %dma_start3A_53 = tpu.memref_squeeze %dma_start3A_52 : memref<1x125xi32, #tpu.memory_space<vmem>> -> memref<125xi32, #tpu.memory_space<vmem>>
    %dma_start3A_54 = arith.constant 0 : i32
    %dma_start3A_55 = tpu.memref_slice %arg2[%mul3A_9, %dma_start3A_54] : memref<20000x128xf32, #tpu.memory_space<hbm>> -> memref<10000x128xf32, #tpu.memory_space<hbm>>
    %dma_start3A_56 = arith.constant 0 : i32
    %dma_start3A_57 = arith.constant 0 : i32
    %dma_start3A_58 = tpu.memref_slice %dma_start3A_55[%dma_start3A_56, %dma_start3A_57] : memref<10000x128xf32, #tpu.memory_space<hbm>> -> memref<10000x128xf32, #tpu.memory_space<hbm>>
    tpu.enqueue_indirect_dma source(%dma_start3A_58 : memref<10000x128xf32, #tpu.memory_space<hbm>>) target(%arg7 : memref<125x128xf32, #tpu.memory_space<vmem>>) offsets(%dma_start3A_53 : memref<125xi32, #tpu.memory_space<vmem>>) semaphore(%arg10 : memref<!tpu.dma_semaphore, #tpu.memory_space<semaphore_mem>>)
    %dma_start3A_59 = arith.constant 1 : i32
    %dma_start3A_60 = arith.constant 0 : i32
    %dma_start3A_61 = tpu.memref_slice %arg5[%dma_start3A_59, %dma_start3A_60] : memref<40x125xi32, #tpu.memory_space<vmem>> -> memref<1x125xi32, #tpu.memory_space<vmem>>
    %dma_start3A_62 = tpu.memref_squeeze %dma_start3A_61 : memref<1x125xi32, #tpu.memory_space<vmem>> -> memref<125xi32, #tpu.memory_space<vmem>>
    %dma_start3A_63 = arith.constant 0 : i32
    %dma_start3A_64 = tpu.memref_slice %arg2[%mul3A_9, %dma_start3A_63] : memref<20000x128xf32, #tpu.memory_space<hbm>> -> memref<10000x128xf32, #tpu.memory_space<hbm>>
    %dma_start3A_65 = arith.constant 0 : i32
    %dma_start3A_66 = arith.constant 0 : i32
    %dma_start3A_67 = tpu.memref_slice %dma_start3A_64[%dma_start3A_65, %dma_start3A_66] : memref<10000x128xf32, #tpu.memory_space<hbm>> -> memref<10000x128xf32, #tpu.memory_space<hbm>>
    tpu.enqueue_indirect_dma source(%dma_start3A_67 : memref<10000x128xf32, #tpu.memory_space<hbm>>) target(%arg8 : memref<125x128xf32, #tpu.memory_space<vmem>>) offsets(%dma_start3A_62 : memref<125xi32, #tpu.memory_space<vmem>>) semaphore(%arg11 : memref<!tpu.dma_semaphore, #tpu.memory_space<semaphore_mem>>)
    %scan3A_68 = arith.constant 0 : i32
    %scan3A_69 = arith.constant 20 : i32
    %scan3A_70 = arith.addi %scan3A_68, %scan3A_69 : i32
    %scan3A_71 = arith.constant 1 : i32
    scf.for %scan3A_78 = %scan3A_68 to %scan3A_70 step %scan3A_71  : i32 {
      %mul3A_79 = arith.constant 1 : i32
      %mul3A_80 = arith.muli %scan3A_78, %mul3A_79 : i32
      %add3A_81 = arith.constant 0 : i32
      %add3A_82 = arith.addi %add3A_81, %mul3A_80 : i32
      %mul3A_83 = arith.constant 2 : i32
      %mul3A_84 = arith.muli %mul3A_83, %add3A_82 : i32
      %dma_wait3A = arith.constant 0 : i32
      %dma_wait3A_85 = tpu.memref_slice %arg5[%mul3A_84, %dma_wait3A] : memref<40x125xi32, #tpu.memory_space<vmem>> -> memref<1x125xi32, #tpu.memory_space<vmem>>
      %dma_wait3A_86 = tpu.memref_squeeze %dma_wait3A_85 : memref<1x125xi32, #tpu.memory_space<vmem>> -> memref<125xi32, #tpu.memory_space<vmem>>
      %dma_wait3A_87 = arith.constant 0 : i32
      %dma_wait3A_88 = tpu.memref_slice %arg2[%mul3A_9, %dma_wait3A_87] : memref<20000x128xf32, #tpu.memory_space<hbm>> -> memref<10000x128xf32, #tpu.memory_space<hbm>>
      %dma_wait3A_89 = arith.constant 0 : i32
      %dma_wait3A_90 = arith.constant 0 : i32
      %dma_wait3A_91 = tpu.memref_slice %dma_wait3A_88[%dma_wait3A_89, %dma_wait3A_90] : memref<10000x128xf32, #tpu.memory_space<hbm>> -> memref<10000x128xf32, #tpu.memory_space<hbm>>
      tpu.wait_indirect_dma semaphore(%arg10 : memref<!tpu.dma_semaphore, #tpu.memory_space<semaphore_mem>>) src(%dma_wait3A_91 : memref<10000x128xf32, #tpu.memory_space<hbm>>) dst(%arg7 : memref<125x128xf32, #tpu.memory_space<vmem>>)
      "tpu.region"() ({
        %run_scoped3A_113 = tpu.sem_alloc : memref<!tpu.dma_semaphore, #tpu.memory_space<semaphore_mem>>
        %dma_start3A_114 = arith.constant 0 : i32
        %dma_start3A_115 = tpu.memref_slice %arg6[%mul3A_84, %dma_start3A_114] : memref<40x125xi32, #tpu.memory_space<vmem>> -> memref<1x125xi32, #tpu.memory_space<vmem>>
        %dma_start3A_116 = tpu.memref_squeeze %dma_start3A_115 : memref<1x125xi32, #tpu.memory_space<vmem>> -> memref<125xi32, #tpu.memory_space<vmem>>
        %dma_start3A_117 = arith.constant 0 : i32
        %dma_start3A_118 = arith.constant 0 : i32
        %dma_start3A_119 = tpu.memref_slice %arg9[%dma_start3A_117, %dma_start3A_118] : memref<10240x128xf32, #tpu.memory_space<vmem_shared>> -> memref<10240x128xf32, #tpu.memory_space<vmem_shared>>
        tpu.enqueue_indirect_dma source(%arg7 : memref<125x128xf32, #tpu.memory_space<vmem>>) target(%dma_start3A_119 : memref<10240x128xf32, #tpu.memory_space<vmem_shared>>) offsets(%dma_start3A_116 : memref<125xi32, #tpu.memory_space<vmem>>) semaphore(%run_scoped3A_113 : memref<!tpu.dma_semaphore, #tpu.memory_space<semaphore_mem>>) {add = true}
        %dma_wait3A_120 = arith.constant 0 : i32
        %dma_wait3A_121 = tpu.memref_slice %arg6[%mul3A_84, %dma_wait3A_120] : memref<40x125xi32, #tpu.memory_space<vmem>> -> memref<1x125xi32, #tpu.memory_space<vmem>>
        %dma_wait3A_122 = tpu.memref_squeeze %dma_wait3A_121 : memref<1x125xi32, #tpu.memory_space<vmem>> -> memref<125xi32, #tpu.memory_space<vmem>>
        %dma_wait3A_123 = arith.constant 0 : i32
        %dma_wait3A_124 = arith.constant 0 : i32
        %dma_wait3A_125 = tpu.memref_slice %arg9[%dma_wait3A_123, %dma_wait3A_124] : memref<10240x128xf32, #tpu.memory_space<vmem_shared>> -> memref<10240x128xf32, #tpu.memory_space<vmem_shared>>
        tpu.wait_indirect_dma semaphore(%run_scoped3A_113 : memref<!tpu.dma_semaphore, #tpu.memory_space<semaphore_mem>>) src(%arg7 : memref<125x128xf32, #tpu.memory_space<vmem>>) dst(%dma_wait3A_125 : memref<10240x128xf32, #tpu.memory_space<vmem_shared>>)
        tpu.yield
      }) : () -> ()
      %add3A_92 = arith.constant 2 : i32
      %add3A_93 = arith.addi %mul3A_84, %add3A_92 : i32
      %lt3A = arith.constant 40 : i32
      %lt3A_94 = arith.cmpi slt, %add3A_93, %lt3A : i32
      %convert_element_type3A = arith.extui %lt3A_94 : i1 to i32
      %cond3A = arith.constant 0 : i32
      %cond3A_95 = arith.cmpi ne, %convert_element_type3A, %cond3A : i32
      scf.if %cond3A_95 {
        %add3A_113 = arith.constant 2 : i32
        %add3A_114 = arith.addi %mul3A_84, %add3A_113 : i32
        %dma_start3A_115 = arith.constant 0 : i32
        %dma_start3A_116 = tpu.memref_slice %arg5[%add3A_114, %dma_start3A_115] : memref<40x125xi32, #tpu.memory_space<vmem>> -> memref<1x125xi32, #tpu.memory_space<vmem>>
        %dma_start3A_117 = tpu.memref_squeeze %dma_start3A_116 : memref<1x125xi32, #tpu.memory_space<vmem>> -> memref<125xi32, #tpu.memory_space<vmem>>
        %dma_start3A_118 = arith.constant 0 : i32
        %dma_start3A_119 = tpu.memref_slice %arg2[%mul3A_9, %dma_start3A_118] : memref<20000x128xf32, #tpu.memory_space<hbm>> -> memref<10000x128xf32, #tpu.memory_space<hbm>>
        %dma_start3A_120 = arith.constant 0 : i32
        %dma_start3A_121 = arith.constant 0 : i32
        %dma_start3A_122 = tpu.memref_slice %dma_start3A_119[%dma_start3A_120, %dma_start3A_121] : memref<10000x128xf32, #tpu.memory_space<hbm>> -> memref<10000x128xf32, #tpu.memory_space<hbm>>
        tpu.enqueue_indirect_dma source(%dma_start3A_122 : memref<10000x128xf32, #tpu.memory_space<hbm>>) target(%arg7 : memref<125x128xf32, #tpu.memory_space<vmem>>) offsets(%dma_start3A_117 : memref<125xi32, #tpu.memory_space<vmem>>) semaphore(%arg10 : memref<!tpu.dma_semaphore, #tpu.memory_space<semaphore_mem>>)
      } else {
      }
      %add3A_96 = arith.constant 1 : i32
      %add3A_97 = arith.addi %mul3A_84, %add3A_96 : i32
      %dma_wait3A_98 = arith.constant 0 : i32
      %dma_wait3A_99 = tpu.memref_slice %arg5[%add3A_97, %dma_wait3A_98] : memref<40x125xi32, #tpu.memory_space<vmem>> -> memref<1x125xi32, #tpu.memory_space<vmem>>
      %dma_wait3A_100 = tpu.memref_squeeze %dma_wait3A_99 : memref<1x125xi32, #tpu.memory_space<vmem>> -> memref<125xi32, #tpu.memory_space<vmem>>
      %dma_wait3A_101 = arith.constant 0 : i32
      %dma_wait3A_102 = tpu.memref_slice %arg2[%mul3A_9, %dma_wait3A_101] : memref<20000x128xf32, #tpu.memory_space<hbm>> -> memref<10000x128xf32, #tpu.memory_space<hbm>>
      %dma_wait3A_103 = arith.constant 0 : i32
      %dma_wait3A_104 = arith.constant 0 : i32
      %dma_wait3A_105 = tpu.memref_slice %dma_wait3A_102[%dma_wait3A_103, %dma_wait3A_104] : memref<10000x128xf32, #tpu.memory_space<hbm>> -> memref<10000x128xf32, #tpu.memory_space<hbm>>
      tpu.wait_indirect_dma semaphore(%arg11 : memref<!tpu.dma_semaphore, #tpu.memory_space<semaphore_mem>>) src(%dma_wait3A_105 : memref<10000x128xf32, #tpu.memory_space<hbm>>) dst(%arg8 : memref<125x128xf32, #tpu.memory_space<vmem>>)
      "tpu.region"() ({
        %run_scoped3A_113 = tpu.sem_alloc : memref<!tpu.dma_semaphore, #tpu.memory_space<semaphore_mem>>
        %dma_start3A_114 = arith.constant 0 : i32
        %dma_start3A_115 = tpu.memref_slice %arg6[%add3A_97, %dma_start3A_114] : memref<40x125xi32, #tpu.memory_space<vmem>> -> memref<1x125xi32, #tpu.memory_space<vmem>>
        %dma_start3A_116 = tpu.memref_squeeze %dma_start3A_115 : memref<1x125xi32, #tpu.memory_space<vmem>> -> memref<125xi32, #tpu.memory_space<vmem>>
        %dma_start3A_117 = arith.constant 0 : i32
        %dma_start3A_118 = arith.constant 0 : i32
        %dma_start3A_119 = tpu.memref_slice %arg9[%dma_start3A_117, %dma_start3A_118] : memref<10240x128xf32, #tpu.memory_space<vmem_shared>> -> memref<10240x128xf32, #tpu.memory_space<vmem_shared>>
        tpu.enqueue_indirect_dma source(%arg8 : memref<125x128xf32, #tpu.memory_space<vmem>>) target(%dma_start3A_119 : memref<10240x128xf32, #tpu.memory_space<vmem_shared>>) offsets(%dma_start3A_116 : memref<125xi32, #tpu.memory_space<vmem>>) semaphore(%run_scoped3A_113 : memref<!tpu.dma_semaphore, #tpu.memory_space<semaphore_mem>>) {add = true}
        %dma_wait3A_120 = arith.constant 0 : i32
        %dma_wait3A_121 = tpu.memref_slice %arg6[%add3A_97, %dma_wait3A_120] : memref<40x125xi32, #tpu.memory_space<vmem>> -> memref<1x125xi32, #tpu.memory_space<vmem>>
        %dma_wait3A_122 = tpu.memref_squeeze %dma_wait3A_121 : memref<1x125xi32, #tpu.memory_space<vmem>> -> memref<125xi32, #tpu.memory_space<vmem>>
        %dma_wait3A_123 = arith.constant 0 : i32
        %dma_wait3A_124 = arith.constant 0 : i32
        %dma_wait3A_125 = tpu.memref_slice %arg9[%dma_wait3A_123, %dma_wait3A_124] : memref<10240x128xf32, #tpu.memory_space<vmem_shared>> -> memref<10240x128xf32, #tpu.memory_space<vmem_shared>>
        tpu.wait_indirect_dma semaphore(%run_scoped3A_113 : memref<!tpu.dma_semaphore, #tpu.memory_space<semaphore_mem>>) src(%arg8 : memref<125x128xf32, #tpu.memory_space<vmem>>) dst(%dma_wait3A_125 : memref<10240x128xf32, #tpu.memory_space<vmem_shared>>)
        tpu.yield
      }) : () -> ()
      %add3A_106 = arith.constant 2 : i32
      %add3A_107 = arith.addi %add3A_97, %add3A_106 : i32
      %lt3A_108 = arith.constant 40 : i32
      %lt3A_109 = arith.cmpi slt, %add3A_107, %lt3A_108 : i32
      %convert_element_type3A_110 = arith.extui %lt3A_109 : i1 to i32
      %cond3A_111 = arith.constant 0 : i32
      %cond3A_112 = arith.cmpi ne, %convert_element_type3A_110, %cond3A_111 : i32
      scf.if %cond3A_112 {
        %add3A_113 = arith.constant 2 : i32
        %add3A_114 = arith.addi %add3A_97, %add3A_113 : i32
        %dma_start3A_115 = arith.constant 0 : i32
        %dma_start3A_116 = tpu.memref_slice %arg5[%add3A_114, %dma_start3A_115] : memref<40x125xi32, #tpu.memory_space<vmem>> -> memref<1x125xi32, #tpu.memory_space<vmem>>
        %dma_start3A_117 = tpu.memref_squeeze %dma_start3A_116 : memref<1x125xi32, #tpu.memory_space<vmem>> -> memref<125xi32, #tpu.memory_space<vmem>>
        %dma_start3A_118 = arith.constant 0 : i32
        %dma_start3A_119 = tpu.memref_slice %arg2[%mul3A_9, %dma_start3A_118] : memref<20000x128xf32, #tpu.memory_space<hbm>> -> memref<10000x128xf32, #tpu.memory_space<hbm>>
        %dma_start3A_120 = arith.constant 0 : i32
        %dma_start3A_121 = arith.constant 0 : i32
        %dma_start3A_122 = tpu.memref_slice %dma_start3A_119[%dma_start3A_120, %dma_start3A_121] : memref<10000x128xf32, #tpu.memory_space<hbm>> -> memref<10000x128xf32, #tpu.memory_space<hbm>>
        tpu.enqueue_indirect_dma source(%dma_start3A_122 : memref<10000x128xf32, #tpu.memory_space<hbm>>) target(%arg8 : memref<125x128xf32, #tpu.memory_space<vmem>>) offsets(%dma_start3A_117 : memref<125xi32, #tpu.memory_space<vmem>>) semaphore(%arg11 : memref<!tpu.dma_semaphore, #tpu.memory_space<semaphore_mem>>)
      } else {
      }
    }
    %scan3A_72 = arith.constant 20 : i32
    %barrier3A_73 = arith.constant 0 : index
    tpu.barrier barrier_id(%barrier3A_73)
    %mul3A_74 = arith.constant 640 : i32
    %mul3A_75 = arith.muli %arg1, %mul3A_74 : i32
    %mul3A_76 = arith.constant 640 : i32
    %mul3A_77 = arith.muli %arg1, %mul3A_76 : i32
    "tpu.region"() ({
      %run_scoped3A_78 = tpu.sem_alloc : memref<!tpu.dma_semaphore, #tpu.memory_space<semaphore_mem>>
      %dma_start3A_79 = arith.constant 0 : i32
      %dma_start3A_80 = tpu.memref_slice %arg4[%arg0, %mul3A_77, %dma_start3A_79] : memref<2x10240x128xf32, #tpu.memory_space<hbm>> -> memref<1x640x128xf32, #tpu.memory_space<hbm>>
      %dma_start3A_81 = tpu.memref_squeeze %dma_start3A_80 : memref<1x640x128xf32, #tpu.memory_space<hbm>> -> memref<640x128xf32, #tpu.memory_space<hbm>>
      %dma_start3A_82 = arith.constant 0 : i32
      %dma_start3A_83 = tpu.memref_slice %arg9[%mul3A_75, %dma_start3A_82] : memref<10240x128xf32, #tpu.memory_space<vmem_shared>> -> memref<640x128xf32, #tpu.memory_space<vmem_shared>>
      tpu.enqueue_dma source(%dma_start3A_83 : memref<640x128xf32, #tpu.memory_space<vmem_shared>>) target(%dma_start3A_81 : memref<640x128xf32, #tpu.memory_space<hbm>>) target_semaphore(%run_scoped3A_78 : memref<!tpu.dma_semaphore, #tpu.memory_space<semaphore_mem>>)
      %dma_wait3A = arith.constant 0 : i32
      %dma_wait3A_84 = tpu.memref_slice %arg4[%arg0, %mul3A_77, %dma_wait3A] : memref<2x10240x128xf32, #tpu.memory_space<hbm>> -> memref<1x640x128xf32, #tpu.memory_space<hbm>>
      %dma_wait3A_85 = tpu.memref_squeeze %dma_wait3A_84 : memref<1x640x128xf32, #tpu.memory_space<hbm>> -> memref<640x128xf32, #tpu.memory_space<hbm>>
      %dma_wait3A_86 = arith.constant 0 : i32
      %dma_wait3A_87 = tpu.memref_slice %arg9[%mul3A_75, %dma_wait3A_86] : memref<10240x128xf32, #tpu.memory_space<vmem_shared>> -> memref<640x128xf32, #tpu.memory_space<vmem_shared>>
      tpu.wait_dma2 semaphore(%run_scoped3A_78 : memref<!tpu.dma_semaphore, #tpu.memory_space<semaphore_mem>>) src(%dma_wait3A_87 : memref<640x128xf32, #tpu.memory_space<vmem_shared>>) dst(%dma_wait3A_85 : memref<640x128xf32, #tpu.memory_space<hbm>>)
      tpu.yield
    }) : () -> ()
    return
  }
}

#map = affine_map<(d0, d1) -> (0, 0, 0)>
module attributes {stable_mosaic.version = 14 : i64} {
  func.func @_sc_hist(%arg0: i32, %arg1: i32, %arg2: memref<2x1280x125xi32, #tpu.memory_space<hbm>>, %arg3: memref<2x10240x16xf32, #tpu.memory_space<hbm>>, %arg4: memref<40x125xi32, #tpu.memory_space<vmem>>, %arg5: memref<125x16xf32, #tpu.memory_space<vmem>>, %arg6: memref<160x16xf32, #tpu.memory_space<vmem>>, %arg7: memref<10240x16xf32, #tpu.memory_space<vmem_shared>>, %arg8: memref<!tpu.dma_semaphore, #tpu.memory_space<semaphore_mem>>) attributes {dimension_semantics = [#tpu.dimension_semantics<core_parallel>, #tpu.dimension_semantics<subcore_parallel>], iteration_bounds = array<i64: 2, 16>, scalar_prefetch = 0 : i64, scratch_operands = 5 : i64, tpu.core_type = #tpu.core_type<sc_vector_subcore>, window_params = [{transform_indices = #map}, {transform_indices = #map}]} {
    %mul3A = arith.constant 16 : i32
    %mul3A_0 = arith.muli %arg0, %mul3A : i32
    %add3A = arith.addi %mul3A_0, %arg1 : i32
    %scan3A = arith.constant 0 : i32
    %scan3A_1 = arith.constant 125 : i32
    %scan3A_2 = arith.addi %scan3A, %scan3A_1 : i32
    %scan3A_3 = arith.constant 1 : i32
    scf.for %scan3A_32 = %scan3A to %scan3A_2 step %scan3A_3  : i32 {
      %mul3A_33 = arith.constant 1 : i32
      %mul3A_34 = arith.muli %scan3A_32, %mul3A_33 : i32
      %add3A_35 = arith.constant 0 : i32
      %add3A_36 = arith.addi %add3A_35, %mul3A_34 : i32
      %broadcast_in_dim3A = arith.constant 1.000000e+00 : f32
      %broadcast_in_dim3A_37 = vector.broadcast %broadcast_in_dim3A : f32 to vector<16xf32>
      %swap3A = arith.index_cast %add3A_36 : i32 to index
      %swap3A_38 = arith.constant 0 : index
      %swap3A_39 = tpu.vector_load %arg5[%swap3A, %swap3A_38] {strides = array<i32>} : memref<125x16xf32, #tpu.memory_space<vmem>>, vector<1x16xf32>,
      %swap3A_40 = vector.shape_cast %swap3A_39 : vector<1x16xf32> to vector<16xf32>
      %swap3A_41 = vector.shape_cast %broadcast_in_dim3A_37 : vector<16xf32> to vector<1x16xf32>
      tpu.vector_store %arg5[%swap3A, %swap3A_38], %swap3A_41 {strides = array<i32>} : memref<125x16xf32, #tpu.memory_space<vmem>>, vector<1x16xf32>,
    }
    %scan3A_4 = arith.constant 125 : i32
    %scan3A_5 = arith.constant 0 : i32
    %scan3A_6 = arith.constant 160 : i32
    %scan3A_7 = arith.addi %scan3A_5, %scan3A_6 : i32
    %scan3A_8 = arith.constant 1 : i32
    scf.for %scan3A_32 = %scan3A_5 to %scan3A_7 step %scan3A_8  : i32 {
      %mul3A_33 = arith.constant 1 : i32
      %mul3A_34 = arith.muli %scan3A_32, %mul3A_33 : i32
      %add3A_35 = arith.constant 0 : i32
      %add3A_36 = arith.addi %add3A_35, %mul3A_34 : i32
      %broadcast_in_dim3A = arith.constant 0.000000e+00 : f32
      %broadcast_in_dim3A_37 = vector.broadcast %broadcast_in_dim3A : f32 to vector<16xf32>
      %swap3A = arith.index_cast %add3A_36 : i32 to index
      %swap3A_38 = arith.constant 0 : index
      %swap3A_39 = tpu.vector_load %arg6[%swap3A, %swap3A_38] {strides = array<i32>} : memref<160x16xf32, #tpu.memory_space<vmem>>, vector<1x16xf32>,
      %swap3A_40 = vector.shape_cast %swap3A_39 : vector<1x16xf32> to vector<16xf32>
      %swap3A_41 = vector.shape_cast %broadcast_in_dim3A_37 : vector<16xf32> to vector<1x16xf32>
      tpu.vector_store %arg6[%swap3A, %swap3A_38], %swap3A_41 {strides = array<i32>} : memref<160x16xf32, #tpu.memory_space<vmem>>, vector<1x16xf32>,
    }
    %scan3A_9 = arith.constant 160 : i32
    %scan3A_10 = arith.constant 0 : i32
    %scan3A_11 = arith.constant 4 : i32
    %scan3A_12 = arith.addi %scan3A_10, %scan3A_11 : i32
    %scan3A_13 = arith.constant 1 : i32
    scf.for %scan3A_32 = %scan3A_10 to %scan3A_12 step %scan3A_13  : i32 {
      %mul3A_33 = arith.constant 1 : i32
      %mul3A_34 = arith.muli %scan3A_32, %mul3A_33 : i32
      %add3A_35 = arith.constant 0 : i32
      %add3A_36 = arith.addi %add3A_35, %mul3A_34 : i32
      %mul3A_37 = arith.constant 640 : i32
      %mul3A_38 = arith.muli %arg1, %mul3A_37 : i32
      %mul3A_39 = arith.constant 160 : i32
      %mul3A_40 = arith.muli %add3A_36, %mul3A_39 : i32
      %add3A_41 = arith.addi %mul3A_38, %mul3A_40 : i32
      "tpu.region"() ({
        %run_scoped3A_42 = tpu.sem_alloc : memref<!tpu.dma_semaphore, #tpu.memory_space<semaphore_mem>>
        %dma_start3A = arith.constant 0 : i32
        %dma_start3A_43 = tpu.memref_slice %arg7[%add3A_41, %dma_start3A] : memref<10240x16xf32, #tpu.memory_space<vmem_shared>> -> memref<160x16xf32, #tpu.memory_space<vmem_shared>>
        %dma_start3A_44 = arith.constant 0 : i32
        %dma_start3A_45 = tpu.memref_slice %arg7[%add3A_41, %dma_start3A_44] : memref<10240x16xf32, #tpu.memory_space<vmem_shared>> -> memref<160x16xf32, #tpu.memory_space<vmem_shared>>
        tpu.enqueue_dma source(%arg6 : memref<160x16xf32, #tpu.memory_space<vmem>>) target(%dma_start3A_45 : memref<160x16xf32, #tpu.memory_space<vmem_shared>>) target_semaphore(%run_scoped3A_42 : memref<!tpu.dma_semaphore, #tpu.memory_space<semaphore_mem>>)
        %dma_wait3A = arith.constant 0 : i32
        %dma_wait3A_46 = tpu.memref_slice %arg7[%add3A_41, %dma_wait3A] : memref<10240x16xf32, #tpu.memory_space<vmem_shared>> -> memref<160x16xf32, #tpu.memory_space<vmem_shared>>
        %dma_wait3A_47 = arith.constant 0 : i32
        %dma_wait3A_48 = tpu.memref_slice %arg7[%add3A_41, %dma_wait3A_47] : memref<10240x16xf32, #tpu.memory_space<vmem_shared>> -> memref<160x16xf32, #tpu.memory_space<vmem_shared>>
        tpu.wait_dma2 semaphore(%run_scoped3A_42 : memref<!tpu.dma_semaphore, #tpu.memory_space<semaphore_mem>>) src(%arg6 : memref<160x16xf32, #tpu.memory_space<vmem>>) dst(%dma_wait3A_48 : memref<160x16xf32, #tpu.memory_space<vmem_shared>>)
        tpu.yield
      }) : () -> ()
    }
    %scan3A_14 = arith.constant 4 : i32
    %barrier3A = arith.constant 0 : index
    tpu.barrier barrier_id(%barrier3A)
    %mul3A_15 = arith.constant 40 : i32
    %mul3A_16 = arith.muli %add3A, %mul3A_15 : i32
    %run_scoped3A = arith.constant 0 : i32
    "tpu.region"() ({
      %run_scoped3A_32 = tpu.sem_alloc : memref<!tpu.dma_semaphore, #tpu.memory_space<semaphore_mem>>
      %dma_start3A = arith.constant 0 : i32
      %dma_start3A_33 = arith.constant 0 : i32
      %dma_start3A_34 = tpu.memref_slice %arg2[%run_scoped3A, %dma_start3A, %dma_start3A_33] : memref<2x1280x125xi32, #tpu.memory_space<hbm>> -> memref<1x1280x125xi32, #tpu.memory_space<hbm>>
      %dma_start3A_35 = tpu.memref_squeeze %dma_start3A_34 : memref<1x1280x125xi32, #tpu.memory_space<hbm>> -> memref<1280x125xi32, #tpu.memory_space<hbm>>
      %dma_start3A_36 = arith.constant 0 : i32
      %dma_start3A_37 = tpu.memref_slice %dma_start3A_35[%mul3A_16, %dma_start3A_36] : memref<1280x125xi32, #tpu.memory_space<hbm>> -> memref<40x125xi32, #tpu.memory_space<hbm>>
      %dma_start3A_38 = arith.constant 0 : i32
      %dma_start3A_39 = arith.constant 0 : i32
      %dma_start3A_40 = tpu.memref_slice %arg2[%run_scoped3A, %dma_start3A_38, %dma_start3A_39] : memref<2x1280x125xi32, #tpu.memory_space<hbm>> -> memref<1x1280x125xi32, #tpu.memory_space<hbm>>
      %dma_start3A_41 = tpu.memref_squeeze %dma_start3A_40 : memref<1x1280x125xi32, #tpu.memory_space<hbm>> -> memref<1280x125xi32, #tpu.memory_space<hbm>>
      %dma_start3A_42 = arith.constant 0 : i32
      %dma_start3A_43 = tpu.memref_slice %dma_start3A_41[%mul3A_16, %dma_start3A_42] : memref<1280x125xi32, #tpu.memory_space<hbm>> -> memref<40x125xi32, #tpu.memory_space<hbm>>
      tpu.enqueue_dma source(%dma_start3A_43 : memref<40x125xi32, #tpu.memory_space<hbm>>) target(%arg4 : memref<40x125xi32, #tpu.memory_space<vmem>>) target_semaphore(%run_scoped3A_32 : memref<!tpu.dma_semaphore, #tpu.memory_space<semaphore_mem>>)
      %dma_wait3A = arith.constant 0 : i32
      %dma_wait3A_44 = arith.constant 0 : i32
      %dma_wait3A_45 = tpu.memref_slice %arg2[%run_scoped3A, %dma_wait3A, %dma_wait3A_44] : memref<2x1280x125xi32, #tpu.memory_space<hbm>> -> memref<1x1280x125xi32, #tpu.memory_space<hbm>>
      %dma_wait3A_46 = tpu.memref_squeeze %dma_wait3A_45 : memref<1x1280x125xi32, #tpu.memory_space<hbm>> -> memref<1280x125xi32, #tpu.memory_space<hbm>>
      %dma_wait3A_47 = arith.constant 0 : i32
      %dma_wait3A_48 = tpu.memref_slice %dma_wait3A_46[%mul3A_16, %dma_wait3A_47] : memref<1280x125xi32, #tpu.memory_space<hbm>> -> memref<40x125xi32, #tpu.memory_space<hbm>>
      %dma_wait3A_49 = arith.constant 0 : i32
      %dma_wait3A_50 = arith.constant 0 : i32
      %dma_wait3A_51 = tpu.memref_slice %arg2[%run_scoped3A, %dma_wait3A_49, %dma_wait3A_50] : memref<2x1280x125xi32, #tpu.memory_space<hbm>> -> memref<1x1280x125xi32, #tpu.memory_space<hbm>>
      %dma_wait3A_52 = tpu.memref_squeeze %dma_wait3A_51 : memref<1x1280x125xi32, #tpu.memory_space<hbm>> -> memref<1280x125xi32, #tpu.memory_space<hbm>>
      %dma_wait3A_53 = arith.constant 0 : i32
      %dma_wait3A_54 = tpu.memref_slice %dma_wait3A_52[%mul3A_16, %dma_wait3A_53] : memref<1280x125xi32, #tpu.memory_space<hbm>> -> memref<40x125xi32, #tpu.memory_space<hbm>>
      tpu.wait_dma2 semaphore(%run_scoped3A_32 : memref<!tpu.dma_semaphore, #tpu.memory_space<semaphore_mem>>) src(%dma_wait3A_54 : memref<40x125xi32, #tpu.memory_space<hbm>>) dst(%arg4 : memref<40x125xi32, #tpu.memory_space<vmem>>)
      tpu.yield
    }) : () -> ()
    %scan3A_17 = arith.constant 0 : i32
    %scan3A_18 = arith.constant 40 : i32
    %scan3A_19 = arith.addi %scan3A_17, %scan3A_18 : i32
    %scan3A_20 = arith.constant 1 : i32
    scf.for %scan3A_32 = %scan3A_17 to %scan3A_19 step %scan3A_20  : i32 {
      %mul3A_33 = arith.constant 1 : i32
      %mul3A_34 = arith.muli %scan3A_32, %mul3A_33 : i32
      %add3A_35 = arith.constant 0 : i32
      %add3A_36 = arith.addi %add3A_35, %mul3A_34 : i32
      %dma_start3A = arith.constant 0 : i32
      %dma_start3A_37 = tpu.memref_slice %arg4[%add3A_36, %dma_start3A] : memref<40x125xi32, #tpu.memory_space<vmem>> -> memref<1x125xi32, #tpu.memory_space<vmem>>
      %dma_start3A_38 = tpu.memref_squeeze %dma_start3A_37 : memref<1x125xi32, #tpu.memory_space<vmem>> -> memref<125xi32, #tpu.memory_space<vmem>>
      %dma_start3A_39 = arith.constant 0 : i32
      %dma_start3A_40 = arith.constant 0 : i32
      %dma_start3A_41 = tpu.memref_slice %arg7[%dma_start3A_39, %dma_start3A_40] : memref<10240x16xf32, #tpu.memory_space<vmem_shared>> -> memref<10240x16xf32, #tpu.memory_space<vmem_shared>>
      tpu.enqueue_indirect_dma source(%arg5 : memref<125x16xf32, #tpu.memory_space<vmem>>) target(%dma_start3A_41 : memref<10240x16xf32, #tpu.memory_space<vmem_shared>>) offsets(%dma_start3A_38 : memref<125xi32, #tpu.memory_space<vmem>>) semaphore(%arg8 : memref<!tpu.dma_semaphore, #tpu.memory_space<semaphore_mem>>) {add = true}
    }
    %scan3A_21 = arith.constant 40 : i32
    %scan3A_22 = arith.constant 0 : i32
    %scan3A_23 = arith.constant 40 : i32
    %scan3A_24 = arith.addi %scan3A_22, %scan3A_23 : i32
    %scan3A_25 = arith.constant 1 : i32
    scf.for %scan3A_32 = %scan3A_22 to %scan3A_24 step %scan3A_25  : i32 {
      %mul3A_33 = arith.constant 1 : i32
      %mul3A_34 = arith.muli %scan3A_32, %mul3A_33 : i32
      %add3A_35 = arith.constant 0 : i32
      %add3A_36 = arith.addi %add3A_35, %mul3A_34 : i32
      %dma_wait3A = arith.constant 0 : i32
      %dma_wait3A_37 = tpu.memref_slice %arg4[%add3A_36, %dma_wait3A] : memref<40x125xi32, #tpu.memory_space<vmem>> -> memref<1x125xi32, #tpu.memory_space<vmem>>
      %dma_wait3A_38 = tpu.memref_squeeze %dma_wait3A_37 : memref<1x125xi32, #tpu.memory_space<vmem>> -> memref<125xi32, #tpu.memory_space<vmem>>
      %dma_wait3A_39 = arith.constant 0 : i32
      %dma_wait3A_40 = arith.constant 0 : i32
      %dma_wait3A_41 = tpu.memref_slice %arg7[%dma_wait3A_39, %dma_wait3A_40] : memref<10240x16xf32, #tpu.memory_space<vmem_shared>> -> memref<10240x16xf32, #tpu.memory_space<vmem_shared>>
      tpu.wait_indirect_dma semaphore(%arg8 : memref<!tpu.dma_semaphore, #tpu.memory_space<semaphore_mem>>) src(%arg5 : memref<125x16xf32, #tpu.memory_space<vmem>>) dst(%dma_wait3A_41 : memref<10240x16xf32, #tpu.memory_space<vmem_shared>>)
    }
    %scan3A_26 = arith.constant 40 : i32
    %barrier3A_27 = arith.constant 0 : index
    tpu.barrier barrier_id(%barrier3A_27)
    %mul3A_28 = arith.constant 640 : i32
    %mul3A_29 = arith.muli %arg1, %mul3A_28 : i32
    %mul3A_30 = arith.constant 640 : i32
    %mul3A_31 = arith.muli %arg1, %mul3A_30 : i32
    "tpu.region"() ({
      %run_scoped3A_32 = tpu.sem_alloc : memref<!tpu.dma_semaphore, #tpu.memory_space<semaphore_mem>>
      %dma_start3A = arith.constant 0 : i32
      %dma_start3A_33 = tpu.memref_slice %arg3[%arg0, %mul3A_31, %dma_start3A] : memref<2x10240x16xf32, #tpu.memory_space<hbm>> -> memref<1x640x16xf32, #tpu.memory_space<hbm>>
      %dma_start3A_34 = tpu.memref_squeeze %dma_start3A_33 : memref<1x640x16xf32, #tpu.memory_space<hbm>> -> memref<640x16xf32, #tpu.memory_space<hbm>>
      %dma_start3A_35 = arith.constant 0 : i32
      %dma_start3A_36 = tpu.memref_slice %arg7[%mul3A_29, %dma_start3A_35] : memref<10240x16xf32, #tpu.memory_space<vmem_shared>> -> memref<640x16xf32, #tpu.memory_space<vmem_shared>>
      tpu.enqueue_dma source(%dma_start3A_36 : memref<640x16xf32, #tpu.memory_space<vmem_shared>>) target(%dma_start3A_34 : memref<640x16xf32, #tpu.memory_space<hbm>>) target_semaphore(%run_scoped3A_32 : memref<!tpu.dma_semaphore, #tpu.memory_space<semaphore_mem>>)
      %dma_wait3A = arith.constant 0 : i32
      %dma_wait3A_37 = tpu.memref_slice %arg3[%arg0, %mul3A_31, %dma_wait3A] : memref<2x10240x16xf32, #tpu.memory_space<hbm>> -> memref<1x640x16xf32, #tpu.memory_space<hbm>>
      %dma_wait3A_38 = tpu.memref_squeeze %dma_wait3A_37 : memref<1x640x16xf32, #tpu.memory_space<hbm>> -> memref<640x16xf32, #tpu.memory_space<hbm>>
      %dma_wait3A_39 = arith.constant 0 : i32
      %dma_wait3A_40 = tpu.memref_slice %arg7[%mul3A_29, %dma_wait3A_39] : memref<10240x16xf32, #tpu.memory_space<vmem_shared>> -> memref<640x16xf32, #tpu.memory_space<vmem_shared>>
      tpu.wait_dma2 semaphore(%run_scoped3A_32 : memref<!tpu.dma_semaphore, #tpu.memory_space<semaphore_mem>>) src(%dma_wait3A_40 : memref<640x16xf32, #tpu.memory_space<vmem_shared>>) dst(%dma_wait3A_38 : memref<640x16xf32, #tpu.memory_space<hbm>>)
      tpu.yield
    }) : () -> ()
    return
  }
}

module attributes {stable_mosaic.version = 14 : i64} {
  func.func @body(%arg0: i32, %arg1: memref<2x2000x16xf32, #tpu.memory_space<vmem>>, %arg2: memref<2000x256xf32, #tpu.memory_space<vmem>>, %arg3: memref<2x2000x128xf32, #tpu.memory_space<vmem>>) attributes {dimension_semantics = [#tpu.dimension_semantics<arbitrary>], iteration_bounds = array<i64: 5>, scalar_prefetch = 0 : i64, scratch_operands = 0 : i64, tpu.core_type = #tpu.core_type<tc>, window_params = [{transform_indices = @transform_0, window_bounds = array<i64: 2, 2000, 16>}, {transform_indices = @transform_1, window_bounds = array<i64: 2000, 256>}, {transform_indices = @transform_2, window_bounds = array<i64: 2, 2000, 128>}]} {
    %get3A = arith.constant 0 : index
    %get3A_0 = arith.constant 0 : index
    %get3A_1 = arith.constant 0 : index
    %get3A_2 = vector.load %arg1[%get3A, %get3A_0, %get3A_1] : memref<2x2000x16xf32, #tpu.memory_space<vmem>>, vector<1x2000x1xf32>
    %get3A_3 = vector.shape_cast %get3A_2 : vector<1x2000x1xf32> to vector<2000x1xf32>
    %get3A_4 = arith.constant 1 : index
    %get3A_5 = arith.constant 0 : index
    %get3A_6 = arith.constant 0 : index
    %get3A_7 = vector.load %arg1[%get3A_4, %get3A_5, %get3A_6] : memref<2x2000x16xf32, #tpu.memory_space<vmem>>, vector<1x2000x1xf32>
    %get3A_8 = vector.shape_cast %get3A_7 : vector<1x2000x1xf32> to vector<2000x1xf32>
    %add3A = arith.addf %get3A_3, %get3A_8 : vector<2000x1xf32>
    %rsqrt3A = math.rsqrt %add3A : vector<2000x1xf32>
    %get3A_9 = arith.constant 0 : index
    %get3A_10 = arith.constant 0 : index
    %get3A_11 = vector.load %arg2[%get3A_9, %get3A_10] : memref<2000x256xf32, #tpu.memory_space<vmem>>, vector<2000x256xf32>
    %mul3A = vector.broadcast %rsqrt3A : vector<2000x1xf32> to vector<2000x256xf32>
    %mul3A_12 = arith.mulf %mul3A, %get3A_11 : vector<2000x256xf32>
    %slice3A = vector.extract_strided_slice %mul3A_12 {offsets = [0, 0], sizes = [2000, 128], strides = [1, 1]} : vector<2000x256xf32> to vector<2000x128xf32>
    %swap3A = arith.constant 0 : index
    %swap3A_13 = arith.constant 0 : index
    %swap3A_14 = arith.constant 0 : index
    %swap3A_15 = vector.load %arg3[%swap3A, %swap3A_13, %swap3A_14] : memref<2x2000x128xf32, #tpu.memory_space<vmem>>, vector<1x2000x128xf32>
    %swap3A_16 = vector.shape_cast %swap3A_15 : vector<1x2000x128xf32> to vector<2000x128xf32>
    %swap3A_17 = vector.shape_cast %slice3A : vector<2000x128xf32> to vector<1x2000x128xf32>
    tpu.vector_store %arg3[%swap3A, %swap3A_13, %swap3A_14], %swap3A_17 {strides = array<i32>} : memref<2x2000x128xf32, #tpu.memory_space<vmem>>, vector<1x2000x128xf32>,
    %slice3A_18 = vector.extract_strided_slice %mul3A_12 {offsets = [0, 128], sizes = [2000, 128], strides = [1, 1]} : vector<2000x256xf32> to vector<2000x128xf32>
    %swap3A_19 = arith.constant 1 : index
    %swap3A_20 = arith.constant 0 : index
    %swap3A_21 = arith.constant 0 : index
    %swap3A_22 = vector.load %arg3[%swap3A_19, %swap3A_20, %swap3A_21] : memref<2x2000x128xf32, #tpu.memory_space<vmem>>, vector<1x2000x128xf32>
    %swap3A_23 = vector.shape_cast %swap3A_22 : vector<1x2000x128xf32> to vector<2000x128xf32>
    %swap3A_24 = vector.shape_cast %slice3A_18 : vector<2000x128xf32> to vector<1x2000x128xf32>
    tpu.vector_store %arg3[%swap3A_19, %swap3A_20, %swap3A_21], %swap3A_24 {strides = array<i32>} : memref<2x2000x128xf32, #tpu.memory_space<vmem>>, vector<1x2000x128xf32>,
    return
  }
  func.func @transform_0(%arg0: i32) -> (i32, i32, i32) {
    %c0_i32 = arith.constant 0 : i32
    %c0_i32_0 = arith.constant 0 : i32
    %c0_i32_1 = arith.constant 0 : i32
    return %c0_i32, %arg0, %c0_i32_0 : i32, i32, i32
  }
  func.func @transform_1(%arg0: i32) -> (i32, i32) {
    %c0_i32 = arith.constant 0 : i32
    %c0_i32_0 = arith.constant 0 : i32
    return %arg0, %c0_i32 : i32, i32
  }
  func.func @transform_2(%arg0: i32) -> (i32, i32, i32) {
    %c0_i32 = arith.constant 0 : i32
    %c0_i32_0 = arith.constant 0 : i32
    %c0_i32_1 = arith.constant 0 : i32
    return %c0_i32, %arg0, %c0_i32_0 : i32, i32, i32
  }
}

module attributes {stable_mosaic.version = 14 : i64} {
  func.func @body(%arg0: i32, %arg1: memref<2x2000x16xf32, #tpu.memory_space<vmem>>, %arg2: memref<2x2000x128xf32, #tpu.memory_space<vmem>>, %arg3: memref<2000x256xf32, #tpu.memory_space<vmem>>) attributes {dimension_semantics = [#tpu.dimension_semantics<arbitrary>], iteration_bounds = array<i64: 5>, scalar_prefetch = 0 : i64, scratch_operands = 0 : i64, tpu.core_type = #tpu.core_type<tc>, window_params = [{transform_indices = @transform_0, window_bounds = array<i64: 2, 2000, 16>}, {transform_indices = @transform_1, window_bounds = array<i64: 2, 2000, 128>}, {transform_indices = @transform_2, window_bounds = array<i64: 2000, 256>}]} {
    %get3A = arith.constant 0 : index
    %get3A_0 = arith.constant 0 : index
    %get3A_1 = arith.constant 0 : index
    %get3A_2 = vector.load %arg1[%get3A, %get3A_0, %get3A_1] : memref<2x2000x16xf32, #tpu.memory_space<vmem>>, vector<1x2000x1xf32>
    %get3A_3 = vector.shape_cast %get3A_2 : vector<1x2000x1xf32> to vector<2000x1xf32>
    %get3A_4 = arith.constant 1 : index
    %get3A_5 = arith.constant 0 : index
    %get3A_6 = arith.constant 0 : index
    %get3A_7 = vector.load %arg1[%get3A_4, %get3A_5, %get3A_6] : memref<2x2000x16xf32, #tpu.memory_space<vmem>>, vector<1x2000x1xf32>
    %get3A_8 = vector.shape_cast %get3A_7 : vector<1x2000x1xf32> to vector<2000x1xf32>
    %add3A = arith.addf %get3A_3, %get3A_8 : vector<2000x1xf32>
    %rsqrt3A = math.rsqrt %add3A : vector<2000x1xf32>
    %get3A_9 = arith.constant 0 : index
    %get3A_10 = arith.constant 0 : index
    %get3A_11 = arith.constant 0 : index
    %get3A_12 = vector.load %arg2[%get3A_9, %get3A_10, %get3A_11] : memref<2x2000x128xf32, #tpu.memory_space<vmem>>, vector<1x2000x128xf32>
    %get3A_13 = vector.shape_cast %get3A_12 : vector<1x2000x128xf32> to vector<2000x128xf32>
    %mul3A = vector.broadcast %rsqrt3A : vector<2000x1xf32> to vector<2000x128xf32>
    %mul3A_14 = arith.mulf %get3A_13, %mul3A : vector<2000x128xf32>
    %max3A = arith.constant 0.000000e+00 : f32
    %max3A_15 = vector.broadcast %max3A : f32 to vector<2000x128xf32>
    %max3A_16 = arith.maximumf %mul3A_14, %max3A_15 : vector<2000x128xf32>
    %swap3A = arith.constant 0 : index
    %swap3A_17 = arith.constant 0 : index
    %swap3A_18 = vector.load %arg3[%swap3A, %swap3A_17] : memref<2000x256xf32, #tpu.memory_space<vmem>>, vector<2000x128xf32>
    tpu.vector_store %arg3[%swap3A, %swap3A_17], %max3A_16 {strides = array<i32>} : memref<2000x256xf32, #tpu.memory_space<vmem>>, vector<2000x128xf32>,
    %get3A_19 = arith.constant 1 : index
    %get3A_20 = arith.constant 0 : index
    %get3A_21 = arith.constant 0 : index
    %get3A_22 = vector.load %arg2[%get3A_19, %get3A_20, %get3A_21] : memref<2x2000x128xf32, #tpu.memory_space<vmem>>, vector<1x2000x128xf32>
    %get3A_23 = vector.shape_cast %get3A_22 : vector<1x2000x128xf32> to vector<2000x128xf32>
    %mul3A_24 = vector.broadcast %rsqrt3A : vector<2000x1xf32> to vector<2000x128xf32>
    %mul3A_25 = arith.mulf %get3A_23, %mul3A_24 : vector<2000x128xf32>
    %max3A_26 = arith.constant 0.000000e+00 : f32
    %max3A_27 = vector.broadcast %max3A_26 : f32 to vector<2000x128xf32>
    %max3A_28 = arith.maximumf %mul3A_25, %max3A_27 : vector<2000x128xf32>
    %swap3A_29 = arith.constant 0 : index
    %swap3A_30 = arith.constant 128 : index
    %swap3A_31 = vector.load %arg3[%swap3A_29, %swap3A_30] : memref<2000x256xf32, #tpu.memory_space<vmem>>, vector<2000x128xf32>
    tpu.vector_store %arg3[%swap3A_29, %swap3A_30], %max3A_28 {strides = array<i32>} : memref<2000x256xf32, #tpu.memory_space<vmem>>, vector<2000x128xf32>,
    return
  }
  func.func @transform_0(%arg0: i32) -> (i32, i32, i32) {
    %c0_i32 = arith.constant 0 : i32
    %c0_i32_0 = arith.constant 0 : i32
    %c0_i32_1 = arith.constant 0 : i32
    return %c0_i32, %arg0, %c0_i32_0 : i32, i32, i32
  }
  func.func @transform_1(%arg0: i32) -> (i32, i32, i32) {
    %c0_i32 = arith.constant 0 : i32
    %c0_i32_0 = arith.constant 0 : i32
    %c0_i32_1 = arith.constant 0 : i32
    return %c0_i32, %arg0, %c0_i32_0 : i32, i32, i32
  }
  func.func @transform_2(%arg0: i32) -> (i32, i32) {
    %c0_i32 = arith.constant 0 : i32
    %c0_i32_0 = arith.constant 0 : i32
    return %arg0, %c0_i32 : i32, i32
  }
}

module attributes {stable_mosaic.version = 14 : i64} {
  func.func @body(%arg0: i32, %arg1: memref<2000x256xf32, #tpu.memory_space<vmem>>, %arg2: memref<256x256xf32, #tpu.memory_space<vmem>>, %arg3: memref<2000x256xf32, #tpu.memory_space<vmem>>) attributes {dimension_semantics = [#tpu.dimension_semantics<arbitrary>], iteration_bounds = array<i64: 5>, scalar_prefetch = 0 : i64, scratch_operands = 0 : i64, tpu.core_type = #tpu.core_type<tc>, window_params = [{transform_indices = @transform_0, window_bounds = array<i64: 2000, 256>}, {pipeline_mode = #tpu.pipeline_mode<synchronous>, transform_indices = @transform_1, window_bounds = array<i64: 256, 256>}, {transform_indices = @transform_2, window_bounds = array<i64: 2000, 256>}]} {
    %get3A = arith.constant 0 : index
    %get3A_0 = arith.constant 0 : index
    %get3A_1 = vector.load %arg1[%get3A, %get3A_0] : memref<2000x256xf32, #tpu.memory_space<vmem>>, vector<2000x256xf32>
    %get3A_2 = arith.constant 0 : index
    %get3A_3 = arith.constant 0 : index
    %get3A_4 = vector.load %arg2[%get3A_2, %get3A_3] : memref<256x256xf32, #tpu.memory_space<vmem>>, vector<256x256xf32>
    %dot_general3A = arith.constant dense<0.000000e+00> : vector<2000x256xf32>
    %dot_general3A_5 = tpu.matmul %get3A_1, %get3A_4, %dot_general3A {dimension_numbers = #tpu.dot_dimension_numbers<[1], [1], [0], [0], [0, 0, 1, 0], [], []>, transpose_lhs_hint = false} : vector<2000x256xf32>, vector<256x256xf32>, vector<2000x256xf32> -> vector<2000x256xf32>
    %swap3A = arith.constant 0 : index
    %swap3A_6 = arith.constant 0 : index
    %swap3A_7 = vector.load %arg3[%swap3A, %swap3A_6] : memref<2000x256xf32, #tpu.memory_space<vmem>>, vector<2000x256xf32>
    tpu.vector_store %arg3[%swap3A, %swap3A_6], %dot_general3A_5 {strides = array<i32>} : memref<2000x256xf32, #tpu.memory_space<vmem>>, vector<2000x256xf32>,
    return
  }
  func.func @transform_0(%arg0: i32) -> (i32, i32) {
    %c0_i32 = arith.constant 0 : i32
    %c0_i32_0 = arith.constant 0 : i32
    return %arg0, %c0_i32 : i32, i32
  }
  func.func @transform_1(%arg0: i32) -> (i32, i32) {
    %c0_i32 = arith.constant 0 : i32
    %c0_i32_0 = arith.constant 0 : i32
    %c0_i32_1 = arith.constant 0 : i32
    return %c0_i32, %c0_i32_0 : i32, i32
  }
  func.func @transform_2(%arg0: i32) -> (i32, i32) {
    %c0_i32 = arith.constant 0 : i32
    %c0_i32_0 = arith.constant 0 : i32
    return %arg0, %c0_i32 : i32, i32
  }
}

</mosaic_0001>

<sc_bundles>
// kernel: kernel.10.cloned.1.call-start
scs
__scs_entry_jumppad:
0x0: {  	(pc) =	sbr.rel $0x88, $3  }
0x1: {  	(tag) =	ssettag $0x0;
	lr =	simm.s32 $0x1  }
0x2: {  	[smem:$0x3F9E] =	sst lr;
	_ =	strace $0xD0000000  }
0x3: {  	_ = 	snop  }
0x4: {  	_ = 	snop  }
0x5: {  	_ = 	snop  }
0x6: {  	_ = 	snop  }
0x7: {  	_ = 	snop  }
__scs_overlays_trampoline_lowered:
0x8: {  	[smem:$0x3FAD] =	sst s0  }
0x9: {  	[smem:$0x3FAE] =	sst s1  }
0xa: {  	[smem:$0x3FAF] =	sst s2  }
0xb: {  	[smem:$0x3FB0] =	sst s3  }
0xc: {  	[smem:$0x3FB1] =	sst s4  }
0xd: {  	[smem:$0x3FB2] =	sst s5  }
0xe: {  	[smem:$0x3FB3] =	sst s6  }
0xf: {  	[smem:$0x3FB4] =	sst s7  }
0x10: {  	[smem:$0x3FB5] =	sst s8  }
0x11: {  	[smem:$0x3FB6] =	sst s9;
	s0 =	simm.s32 @!p0 $0x0  }
0x12: {  	s1 =	sld [smem:$0x3F9C];
	s0 =	simm.s32 @p0 $0x1  }
0x13: {  	[smem:$0x3FB7] =	sst s0;
	s0 =	simm.s32 @!p1 $0x0  }
0x14: {  	s2 =	sld [smem:$0x3F9B];
	s0 =	simm.s32 @p1 $0x1  }
0x15: {  	[smem:$0x3FB8] =	sst s0;
	s0 =	simm.s32 @!p2 $0x0  }
0x16: {  	s3 =	sld [smem:$0x3FDB];
	s0 =	simm.s32 @p2 $0x1  }
0x17: {  	s4 =	simm.s32 $0x1BF5;
	[smem:$0x3FBA] =	sst s0  }
0x18: {  	s0 =	sld [smem:$0x3F9D];
	_ =	swait.ge [sflag:s4], $0x0  }
0x19: {  	s7 =	sld [smem:$0x3F9E]  }
0x1a: {  	s8 =	sadd.s32 $0xFFFFE003, lr  }
0x1b: {  	s9 =	sadd.s32 $0xFFFFFEF7, lr;
	s5 =	simm.s32 $0xFFFFFFFF;
	p2 =	slt.u32 s8, $0xFFFFF086  }
0x1c: {  	p1 =	slt.u32 s9, $0xF7A;
	s5 =	simm.s32 @!p2 $0x0  }
0x1d: {  	s5 =	simm.s32 @p1 $0x1;
	p0 =	seq.s32 s7, s2  }
0x1e: {  	s7 =	smul.u32 @!p0 $0xF7A, s2;
	p2 =	seq.s32 @!p0 s5, $0x0  }
0x1f: {  	s9 =	smul.u32 $0xF7A, s1;
	s8 =	simm.s32 @!p0 $0x1BF5;
	p2 =	por !p2, p0  }
0x20: {  	[sflag:s8] =	ssyncset.s32 @!p0 $0xFFFFF086;
	s6 =	sadd.s32 @!p0 s3, s7;
	s7 =	simm.s32 @!p0 $0x108  }
0x21: {  	s3 =	sadd.s32 s3, s9;
	s6 =	sadd.s32 @!p0 $0x88, s6;
	s7 =	simm.s32 @p2 $0x1082  }
0x22: {  	[simem:s7], [sflag:s8] =	dma.local @!p0 [hbm:s6], $0xF7A  }
0x23: {  	s9 =	sor.u32 $0xD0000000, s2;
	s6 =	simm.s32 $0x108;
	_ =	swait.ge @!p0 [sflag:s8], $0x0  }
0x24: {  	s3 =	sadd.s32 $0x88, s3;
	s6 =	simm.s32 @!p1 $0x1082;
	[sflag:s4] =	ssyncset.s32 $0xFFFFF086  }
0x25: {  	[simem:s6], [sflag:s4] =	dma.local [hbm:s3], $0xF7A  }
0x26: {  	[smem:$0x3F9E] =	sst s1;
	(tag) =	ssettag s2;
	_ =	strace s9  }
0x27: {  	s1 =	sld [smem:$0x3FAE]  }
0x28: {  	s2 =	sld [smem:$0x3FAF]  }
0x29: {  	s4 =	sld [smem:$0x3FB1]  }
0x2a: {  	p0 =	seq.s32 s5, $0x0;
	s5 =	sld [smem:$0x3FB2]  }
0x2b: {  	s6 =	sld [smem:$0x3FB3]  }
0x2c: {  	s7 =	sld [smem:$0x3FB4]  }
0x2d: {  	s3 =	simm.s32 $0x108;
	s8 =	sld [smem:$0x3FB5]  }
0x2e: {  	s3 =	simm.s32 @!p0 $0x1082;
	s9 =	sld [smem:$0x3FB6]  }
0x2f: {  	lr =	sadd.s32 s0, s3;
	s0 =	sld [smem:$0x3FAD]  }
0x30: {  	s3 =	sld [smem:$0x3FB0]  }
0x31: {  	[smem:$0x3FB9] =	sst s10  }
0x32: {  	s10 =	sld [smem:$0x3FB7];
	_ =	sdelay $0x3  }
0x33: {  	p0 =	seq.s32 s10, $0x1;
	s10 =	sld [smem:$0x3FB9];
	_ =	sdelay $0x3  }
0x34: {  	[smem:$0x3FB9] =	sst s10  }
0x35: {  	s10 =	sld [smem:$0x3FB8];
	_ =	sdelay $0x3  }
0x36: {  	p1 =	seq.s32 s10, $0x1;
	s10 =	sld [smem:$0x3FB9];
	_ =	sdelay $0x3  }
0x37: {  	[smem:$0x3FB9] =	sst s10  }
0x38: {  	s10 =	sld [smem:$0x3FBA]  }
0x39: {  	_ = 	snop;
	(pc) =	sbr.ind lr, $3  }
0x3a: {  	_ = 	snop  }
0x3b: {  	_ = 	snop  }
0x3c: {  	p2 =	seq.s32 s10, $0x1;
	s10 =	sld [smem:$0x3FB9]  }
0x3d: {  	_ =	shalt  }
0x3e: {  	_ =	shalt  }
0x3f: {  	_ =	shalt  }
0x40: {  	_ =	shalt  }
0x41: {  	_ =	shalt  }
0x42: {  	_ =	shalt  }
0x43: {  	_ =	shalt  }
0x44: {  	_ =	shalt  }
0x45: {  	_ =	shalt  }
0x46: {  	_ =	shalt  }
0x47: {  	_ =	shalt  }
0x48: {  	_ =	shalt  }
0x49: {  	_ =	shalt  }
0x4a: {  	_ =	shalt  }
0x4b: {  	_ =	shalt  }
0x4c: {  	_ =	shalt  }
0x4d: {  	_ =	shalt  }
0x4e: {  	_ =	shalt  }
0x4f: {  	_ =	shalt  }
0x50: {  	_ =	shalt  }
0x51: {  	_ =	shalt  }
0x52: {  	_ =	shalt  }
0x53: {  	_ =	shalt  }
0x54: {  	_ =	shalt  }
0x55: {  	_ =	shalt  }
0x56: {  	_ =	shalt  }
0x57: {  	_ =	shalt  }
0x58: {  	_ =	shalt  }
0x59: {  	_ =	shalt  }
0x5a: {  	_ =	shalt  }
0x5b: {  	_ =	shalt  }
0x5c: {  	_ =	shalt  }
0x5d: {  	_ =	shalt  }
0x5e: {  	_ =	shalt  }
0x5f: {  	_ =	shalt  }
0x60: {  	_ =	shalt  }
0x61: {  	_ =	shalt  }
0x62: {  	_ =	shalt  }
0x63: {  	_ =	shalt  }
0x64: {  	_ =	shalt  }
0x65: {  	_ =	shalt  }
0x66: {  	_ =	shalt  }
0x67: {  	_ =	shalt  }
0x68: {  	_ =	shalt  }
0x69: {  	_ =	shalt  }
0x6a: {  	_ =	shalt  }
0x6b: {  	_ =	shalt  }
0x6c: {  	_ =	shalt  }
0x6d: {  	_ =	shalt  }
0x6e: {  	_ =	shalt  }
0x6f: {  	_ =	shalt  }
0x70: {  	_ =	shalt  }
0x71: {  	_ =	shalt  }
0x72: {  	_ =	shalt  }
0x73: {  	_ =	shalt  }
0x74: {  	_ =	shalt  }
0x75: {  	_ =	shalt  }
0x76: {  	_ =	shalt  }
0x77: {  	_ =	shalt  }
0x78: {  	_ =	shalt  }
0x79: {  	_ =	shalt  }
0x7a: {  	_ =	shalt  }
0x7b: {  	_ =	shalt  }
0x7c: {  	_ =	shalt  }
0x7d: {  	_ =	shalt  }
0x7e: {  	_ =	shalt  }
0x7f: {  	_ =	shalt  }
0x80: {  	_ =	shalt  }
0x81: {  	_ =	shalt  }
0x82: {  	_ =	shalt  }
0x83: {  	_ =	shalt  }
0x84: {  	_ =	shalt  }
0x85: {  	_ =	shalt  }
0x86: {  	_ =	shalt  }
0x87: {  	_ =	shalt  }
.Lfunc_end0:
.L_simem_size_0:
called_computation.1_lowered:
.L_overlay_start_0:
0x88: {  	s2 =	sld [smem:$0x3FD9]  }
0x89: {  	s3 =	sld [smem:$0x3FFE];
	_ =	sdelay $0x1  }
0x8a: {  	s1 =	srdreg.scid  }
0x8b: {  	s0 =	sand.u32 $0x1, s1  }
0x8c: {  	s17 =	sshll.u32 s0, $0xA;
	s2 =	sadd.s32 s3, s2  }
0x8d: {  	s2 =	sadd.s32 s2, s17  }
0x8e: {  	[smem:$0x3FC5] =	sst s2  }
0x8f: {  	_ = 	snop  }
0x90: {  	s2 =	sld [smem:$0x3FD0];
	(tm) =	ssettm $0x1  }
0x91: {  	s18 =	sld [smem:$0x3FFB];
	_ =	sdelay $0x3  }
0x92: {  	_ =	strace s18  }
0x93: {  	s3 =	sld [smem:$0x3FFC];
	_ =	sdelay $0x3  }
0x94: {  	_ =	strace s3  }
0x95: {  	s3 =	sld [smem:$0x3FFD];
	_ =	sdelay $0x3  }
0x96: {  	_ =	strace s3  }
0x97: {  	_ =	strace $0x8FFFFFFF  }
0x98: {  	s19 =	sld [smem:$0x3FDB];
	_ =	sdelay $0x1  }
0x99: {  	s4 =	simm.s32 $_scs_section_size  }
0x9a: {  	s5 =	simm.s32 $_size__tile_overlayer_lowered;
	s6 =	simm.s32 $_tile_overlayer_lowered  }
0x9b: {  	s22 =	simm.s32 $0x1BFF;
	s21 =	sshll.u32 s6, $0x1;
	s3 =	sadd.s32 s4, s19  }
0x9c: {  	s7 =	simm.s32 $0x0;
	s20 =	sshll.u32 s5, $0x1;
	s5 =	sadd.s32 s21, s3  }
0x9d: {  	[timem:s7], [sflag:s22] =	dma.local [hbm:s5], s20  }
0x9e: {  	_ =	swait.ge [sflag:s22], s20  }
0x9f: {  	s4 =	ssub.s32 $0x0, s20;
	[sflag:s22] =	ssyncset.done $0x0  }
0xa0: {  	[sflag:s22] =	ssyncadd.s32 s4;
	_ =	sdelay $0x1  }
0xa1: {  	s23 =	simm.s32 $0x1B8B  }
0xa2: {  	_ =	swait.ge [sflag:s23], $0x1  }
0xa3: {  	[sflag:s23] =	ssyncset.done $0x0  }
0xa4: {  	s25 =	simm.s32 $0x1B8E;
	s24 =	sld [smem:$0x3FFE];
	[sflag:s23] =	ssyncadd.s32 $0xFFFFFFFF  }
0xa5: {  	s26 =	simm.s32 $execute0_lowered;
	[smem:$0x3FD2] =	sst s25  }
0xa6: {  	s5 =	sshll.u32 s26, $0x1;
	_ =	strace $0x80000049;
	[dreg:$0x1] =	wrdreg $0xFFFFFFFF  }
0xa7: {  	s28 =	simm.s32 $_size_execute0_lowered;
	s3 =	sadd.s32 s3, s5;
	[dreg:$0x0] =	wrdreg $0x0  }
0xa8: {  	s5 =	sshll.u32 s28, $0x1;
	[dreg:$0x2] =	wrdreg s3  }
0xa9: {  	[dreg:$0x3] =	wrdreg s5  }
0xaa: {  	[dreg:$0x4] =	wrdreg $0xC0  }
0xab: {  	_ =	task [dreg:s7], $0x5FFFF  }
0xac: {  	[dreg:$0x1] =	wrdreg $0xFFFFFFFF  }
0xad: {  	[dreg:$0x0] =	wrdreg $0x60  }
0xae: {  	[dreg:$0x2] =	wrdreg s2  }
0xaf: {  	[dreg:$0x3] =	wrdreg s24  }
0xb0: {  	[dreg:$0x4] =	wrdreg $0xA8000  }
0xb1: {  	[dreg:$0x5] =	wrdreg $0x9  }
0xb2: {  	_ =	task.clear_ibuf [dreg:s7], $0x6FFFF;
	_ =	strace $0x90000049  }
0xb3: {  	s29 =	simm.s32 $0x9;
	_ =	strace $0x8000004B  }
0xb4: {  	_ =	swait.ge [sflag:s29], $0x1  }
0xb5: {  	[sflag:s29] =	ssyncadd.s32 $0xFFFFFFFF  }
0xb6: {  	_ =	strace $0x9000004B  }
0xb7: {  	_ =	sfence  }
0xb8: {  	s30 =	sld [smem:$0x0];
	_ =	sdelay $0x2  }
0xb9: {  	s31 =	sshll.u32 s1, $0xD;
	s1 =	sshrl.u32 s1, $0x2  }
0xba: {  	s3 =	sand.u32 $0x4000, s31;
	s1 =	sadd.s32 s1, s30  }
0xbb: {  	s0 =	sor.u32 s3, s0;
	s1 =	sshll.u32 s1, $0x11  }
0xbc: {  	s0 =	sor.u32 s1, s0  }
0xbd: {  	s0 =	sadd.s32 $0x8F2B, s0  }
0xbe: {  	[sflag:s0] =	ssyncadd.remote.s32 $0x1  }
0xbf: {  	_ =	sfence.sel $0xFFFF  }
0xc0: {  	[dreg:$0x0] =	wrdreg $0xFFFFFFFF;
	(pc) =	sbr.abs _section_cstart, $3  }
0xc1: {  	[dreg:$0x1] =	wrdreg $0xFFFFFFFF  }
0xc2: {  	_ =	task.clear_ibuf [dreg:s7], $0x2FFFF;
	_ =	strace $0x9FFFFFFF  }
0xc3: {  	(tm) =	ssettm $0x7FFFFFFF  }
tec
execute0_lowered:
.L_overlay_start_1:
0x0: {  	(tag) =	ssettag $0x1  }
0x1: {  	s0 =	rddreg [dreg:$0x0]  }
0x2: {  	s5 =	rddreg [dreg:$0x1]  }
0x3: {  	s1 =	rddreg [dreg:$0x2];
	s2 =	srdreg.scid  }
0x4: {  	s3 =	simm.s32 $0x0;
	s22 =	stileid.u32;
	s20 =	simm.s32 $0x2800  }
0x5: {  	s21 =	simm.s32 $0x3;
	s28 =	simm.s32 $0x2;
	s8 =	smul.u32 $0x14000, s22  }
0x6: {  	s29 =	simm.s32 $0x2700;
	s30 =	simm.s32 $0x2780;
	s4 =	smul.u32 $0x500, s22  }
0x7: {  	s6 =	sand.u32 $0x1, s2;
	[smem:$0x7FF] =	sst s3;
	s11 =	smul.u32 $0x2800, s22  }
0x8: {  	s9 =	sadd.s32 $0x2600, s5;
	s14 =	smul.u32 $0x50000, s22;
	s22 =	simm.s32 $0x1400  }
0x9: {  	s7 =	smul.u32 $0x140000, s6;
	_ =	strace $0x8000004A;
	s23 =	ssub.s32 $0x2, s6  }
0xa: {  	s10 =	smul.u32 $0x27100, s6;
	s25 =	sshrl.u32 s23, $0x1;
	s6 =	sadd.s32 s9, s4  }
0xb: {  	s26 =	sshrl.u32 s11, $0x3;
	s31 =	sshrl.u32 s14, $0x2;
	s7 =	sadd.s32 s8, s7  }
0xc: {  	s13 =	ssub.s32 s23, s25;
	s8 =	sadd.s32 $0x280, s26;
	s11 =	sadd.s32 s31, s1  }
0xd: {  	s23 =	simm.s32 $0x7D;
	s25 =	simm.s32 $0x6800;
	s26 =	simm.s32 $0x1  }
0xe: {  	s24 =	sshrl.u32 s7, $0x3;
	s7 =	sadd.s32 s0, s10;
	s9 =	sadd.s32 s9, s8  }
0xf: {  	s14 =	sadd.s32 $0x5000, s11;
	s15 =	sadd.s32 $0x7800, s11;
	s16 =	sadd.s32 $0xA000, s11  }
0x10: {  	s17 =	sadd.s32 $0xC800, s11;
	s18 =	sadd.s32 $0xF000, s11;
	s19 =	sadd.s32 $0x11800, s11  }
0x11: {  	s12 =	sadd.s32 s24, s5;
	s5 =	sadd.s32 $0x7600, s5;
	s24 =	simm.s32 $0x80  }
0x12: {  	v0 =	vimm.f32 $0.0e+00;
	s10 =	sadd.s32 $0x5C600, s12;
	s12 =	smax.u32 s13, $0x1;
	s13 =	sadd.s32 $0x2800, s11  }
.LBB2_1:
0x13: {  	s31 =	simm.s32 $0x70;
	s0 =	simm.s32 $0x3C0  }
.LBB2_2:
0x14: {  	p0 =	sne.s32 s0, $0xF9C0;
	[tilespmem:s31+$0x2800] =	vst v0  }
0x15: {  	[tilespmem:s31+$0x2790] =	vst v0  }
0x16: {  	[tilespmem:s31+$0x27A0] =	vst v0  }
.Ltmp0:
0x17: {  	[tilespmem:s31+$0x27B0] =	vst v0;
	(pc) =	sbr.rel @p0 .LBB2_2-.Ltmp0, $4  }
0x18: {  	[tilespmem:s31+$0x27C0] =	vst v0  }
0x19: {  	[tilespmem:s31+$0x27D0] =	vst v0  }
0x1a: {  	[tilespmem:s31+$0x27E0] =	vst v0  }
0x1b: {  	[tilespmem:s31+$0x27F0] =	vst v0;
	s31 =	sshra.s32 s0, $0x2;
	s0 =	sadd.s32 $0x200, s0  }
0x1c: {  	[tilespmem:s31+$0x2800] =	vst v0  }
0x1d: {  	[tilespmem:s31+$0x2790] =	vst v0  }
0x1e: {  	[tilespmem:s31+$0x27A0] =	vst v0  }
0x1f: {  	[tilespmem:s31+$0x27B0] =	vst v0  }
0x20: {  	[tilespmem:s31+$0x27C0] =	vst v0  }
0x21: {  	[tilespmem:s31+$0x27D0] =	vst v0  }
0x22: {  	[tilespmem:s31+$0x27E0] =	vst v0  }
0x23: {  	[tilespmem:s31+$0x27F0] =	vst v0  }
0x24: {  	[spmem:s11] =	stream.linear.scatter [tilespmem:s20], [sflag:$0x3], $0x2800, $0x38;
	[tilespmem:$0x1E800] =	vst v63  }
0x25: {  	_ =	swait.ge [sflag:s21], $0x2800  }
0x26: {  	[sflag:s21] =	ssyncset.done $0x0  }
0x27: {  	[sflag:s21] =	ssyncadd.s32 $0xFFFFD800  }
0x28: {  	[spmem:s13] =	stream.linear.scatter [tilespmem:s20], [sflag:$0x3], $0x2800, $0x38;
	[tilespmem:$0x1E800] =	vst v63  }
0x29: {  	_ =	swait.ge [sflag:s21], $0x2800  }
0x2a: {  	[sflag:s21] =	ssyncset.done $0x0  }
0x2b: {  	[sflag:s21] =	ssyncadd.s32 $0xFFFFD800  }
0x2c: {  	[spmem:s14] =	stream.linear.scatter [tilespmem:s20], [sflag:$0x3], $0x2800, $0x38;
	[tilespmem:$0x1E800] =	vst v63  }
0x2d: {  	_ =	swait.ge [sflag:s21], $0x2800  }
0x2e: {  	[sflag:s21] =	ssyncset.done $0x0  }
0x2f: {  	[sflag:s21] =	ssyncadd.s32 $0xFFFFD800  }
0x30: {  	[spmem:s15] =	stream.linear.scatter [tilespmem:s20], [sflag:$0x3], $0x2800, $0x38;
	[tilespmem:$0x1E800] =	vst v63  }
0x31: {  	_ =	swait.ge [sflag:s21], $0x2800  }
0x32: {  	[sflag:s21] =	ssyncset.done $0x0  }
0x33: {  	[sflag:s21] =	ssyncadd.s32 $0xFFFFD800  }
0x34: {  	[spmem:s16] =	stream.linear.scatter [tilespmem:s20], [sflag:$0x3], $0x2800, $0x38;
	[tilespmem:$0x1E800] =	vst v63  }
0x35: {  	_ =	swait.ge [sflag:s21], $0x2800  }
0x36: {  	[sflag:s21] =	ssyncset.done $0x0  }
0x37: {  	[sflag:s21] =	ssyncadd.s32 $0xFFFFD800  }
0x38: {  	[spmem:s17] =	stream.linear.scatter [tilespmem:s20], [sflag:$0x3], $0x2800, $0x38;
	[tilespmem:$0x1E800] =	vst v63  }
0x39: {  	_ =	swait.ge [sflag:s21], $0x2800  }
0x3a: {  	[sflag:s21] =	ssyncset.done $0x0  }
0x3b: {  	[sflag:s21] =	ssyncadd.s32 $0xFFFFD800  }
0x3c: {  	[spmem:s18] =	stream.linear.scatter [tilespmem:s20], [sflag:$0x3], $0x2800, $0x38;
	[tilespmem:$0x1E800] =	vst v63  }
0x3d: {  	_ =	swait.ge [sflag:s21], $0x2800  }
0x3e: {  	[sflag:s21] =	ssyncset.done $0x0  }
0x3f: {  	[sflag:s21] =	ssyncadd.s32 $0xFFFFD800  }
0x40: {  	[spmem:s19] =	stream.linear.scatter [tilespmem:s20], [sflag:$0x3], $0x2800, $0x38;
	[tilespmem:$0x1E800] =	vst v63  }
0x41: {  	_ =	swait.ge [sflag:s21], $0x2800  }
0x42: {  	[sflag:s21] =	ssyncset.done $0x0  }
0x43: {  	[sflag:s21] =	ssyncadd.s32 $0xFFFFD800  }
0x44: {  	s0 =	sadd.s32 s4, s5;
	s31 =	simm.s32 $0x0;
	[bflag:$0x0] =	sbarrier.arrive $0xFFFF  }
0x45: {  	[tilespmem:s31], [sflag:$0x3] =	stream.linear.gather [hbm4b:s0+s31], $0x1400, $0x38;
	[tilespmem:$0x1E800] =	vst v63  }
0x46: {  	_ =	swait.ge [sflag:s21], $0x1400  }
0x47: {  	[sflag:s21] =	ssyncset.done $0x0  }
0x48: {  	[sflag:s21] =	ssyncadd.s32 $0xFFFFEC00  }
0x49: {  	[tilespmem:s22], [sflag:$0x3] =	stream.linear.gather [hbm4b:s6+s31], $0x1400, $0x38;
	[tilespmem:$0x1E800] =	vst v63  }
0x4a: {  	_ =	swait.ge [sflag:s21], $0x1400  }
0x4b: {  	[sflag:s21] =	ssyncset.done $0x0  }
0x4c: {  	[sflag:s21] =	ssyncadd.s32 $0xFFFFEC00  }
0x4d: {  	[tilespmem:s20], [sflag:$0x1] =	stream.indirect.gather [hbm4b:s7+s23], $0x80, s31, s23, $0xb8;
	[tilespmem:$0x1E800] =	vst v63  }
0x4e: {  	_ = 	snop  }
0x4f: {  	[tilespmem:s25], [sflag:$0x2] =	stream.indirect.gather [hbm4b:s7+s23], $0x80, s24, s23, $0xb8;
	[tilespmem:$0x1E800] =	vst v63  }
0x50: {  	_ =	swait.ge [sflag:s26], $0x3E80  }
0x51: {  	[sflag:s26] =	ssyncset.done $0x0  }
0x52: {  	s2 =	simm.s32 $0x1400;
	[sflag:s26] =	ssyncadd.s32 $0xFFFFC180  }
0x53: {  	[spmem:s1] =	stream.indirect.scatter.add.f32 [tilespmem:s20], [sflag:$0x3], $0x80, s2, s23, $0xb8;
	[tilespmem:$0x1E800] =	vst v63  }
0x54: {  	_ =	swait.ge [sflag:s21], $0x3E80  }
0x55: {  	[sflag:s21] =	ssyncset.done $0x0  }
0x56: {  	s2 =	simm.s32 $0x100;
	[sflag:s21] =	ssyncadd.s32 $0xFFFFC180  }
0x57: {  	[tilespmem:s20], [sflag:$0x1] =	stream.indirect.gather [hbm4b:s7+s23], $0x80, s2, s23, $0xb8;
	[tilespmem:$0x1E800] =	vst v63  }
0x58: {  	_ =	swait.ge [sflag:s28], $0x3E80  }
0x59: {  	[sflag:s28] =	ssyncset.done $0x0  }
0x5a: {  	s2 =	simm.s32 $0x1480;
	[sflag:s28] =	ssyncadd.s32 $0xFFFFC180  }
0x5b: {  	[spmem:s1] =	stream.indirect.scatter.add.f32 [tilespmem:s25], [sflag:$0x3], $0x80, s2, s23, $0xb8;
	[tilespmem:$0x1E800] =	vst v63  }
0x5c: {  	_ =	swait.ge [sflag:s21], $0x3E80  }
0x5d: {  	[sflag:s21] =	ssyncset.done $0x0  }
0x5e: {  	s0 =	simm.s32 $0x180;
	s31 =	simm.s32 $0x400;
	[sflag:s21] =	ssyncadd.s32 $0xFFFFC180  }
.LBB2_4:
0x5f: {  	[tilespmem:s25], [sflag:$0x2] =	stream.indirect.gather [hbm4b:s7+s23], $0x80, s0, s23, $0xb8;
	[tilespmem:$0x1E800] =	vst v63  }
0x60: {  	s0 =	smov.u32 s31  }
0x61: {  	p0 =	sne.s32 s31, $0x4800;
	s31 =	sadd.s32 $0x400, s31;
	_ =	swait.ge [sflag:s26], $0x3E80  }
0x62: {  	s0 =	sshra.s32 s0, $0x2;
	[sflag:s26] =	ssyncset.done $0x0  }
0x63: {  	s2 =	sadd.s32 $0x1400, s0;
	[sflag:s26] =	ssyncadd.s32 $0xFFFFC180  }
0x64: {  	[spmem:s1] =	stream.indirect.scatter.add.f32 [tilespmem:s20], [sflag:$0x3], $0x80, s2, s23, $0xb8;
	[tilespmem:$0x1E800] =	vst v63  }
0x65: {  	_ =	swait.ge [sflag:s21], $0x3E80  }
0x66: {  	[sflag:s21] =	ssyncset.done $0x0  }
0x67: {  	s2 =	sadd.s32 $0x100, s0;
	[sflag:s21] =	ssyncadd.s32 $0xFFFFC180  }
0x68: {  	[tilespmem:s20], [sflag:$0x1] =	stream.indirect.gather [hbm4b:s7+s23], $0x80, s2, s23, $0xb8;
	[tilespmem:$0x1E800] =	vst v63  }
0x69: {  	_ =	swait.ge [sflag:s28], $0x3E80  }
0x6a: {  	[sflag:s28] =	ssyncset.done $0x0  }
.Ltmp1:
0x6b: {  	s2 =	sadd.s32 $0x1480, s0;
	[sflag:s28] =	ssyncadd.s32 $0xFFFFC180;
	(pc) =	sbr.rel @p0 .LBB2_4-.Ltmp1, $4  }
0x6c: {  	[spmem:s1] =	stream.indirect.scatter.add.f32 [tilespmem:s25], [sflag:$0x3], $0x80, s2, s23, $0xb8;
	[tilespmem:$0x1E800] =	vst v63  }
0x6d: {  	_ =	swait.ge [sflag:s21], $0x3E80  }
0x6e: {  	[sflag:s21] =	ssyncset.done $0x0  }
0x6f: {  	s0 =	sadd.s32 $0x180, s0;
	[sflag:s21] =	ssyncadd.s32 $0xFFFFC180  }
0x70: {  	[tilespmem:s25], [sflag:$0x2] =	stream.indirect.gather [hbm4b:s7+s23], $0x80, s0, s23, $0xb8;
	[tilespmem:$0x1E800] =	vst v63  }
0x71: {  	_ =	swait.ge [sflag:s26], $0x3E80  }
0x72: {  	[sflag:s26] =	ssyncset.done $0x0  }
0x73: {  	[sflag:s26] =	ssyncadd.s32 $0xFFFFC180  }
0x74: {  	[spmem:s1] =	stream.indirect.scatter.add.f32 [tilespmem:s20], [sflag:$0x3], $0x80, s29, s23, $0xb8;
	[tilespmem:$0x1E800] =	vst v63  }
0x75: {  	_ =	swait.ge [sflag:s21], $0x3E80  }
0x76: {  	[sflag:s21] =	ssyncset.done $0x0  }
0x77: {  	[sflag:s21] =	ssyncadd.s32 $0xFFFFC180  }
0x78: {  	_ =	swait.ge [sflag:s28], $0x3E80  }
0x79: {  	[sflag:s28] =	ssyncset.done $0x0  }
0x7a: {  	[sflag:s28] =	ssyncadd.s32 $0xFFFFC180  }
0x7b: {  	[spmem:s1] =	stream.indirect.scatter.add.f32 [tilespmem:s25], [sflag:$0x3], $0x80, s30, s23, $0xb8;
	[tilespmem:$0x1E800] =	vst v63  }
0x7c: {  	_ =	swait.ge [sflag:s21], $0x3E80  }
0x7d: {  	[sflag:s21] =	ssyncset.done $0x0  }
0x7e: {  	s0 =	sadd.s32 s8, s5;
	s2 =	simm.s32 $0x0;
	[sflag:s21] =	ssyncadd.s32 $0xFFFFC180  }
0x7f: {  	[tilespmem:s2], [sflag:$0x3] =	stream.linear.gather [hbm4b:s0+s2], $0x1400, $0x38;
	[tilespmem:$0x1E800] =	vst v63  }
0x80: {  	_ =	swait.ge [sflag:s21], $0x1400  }
0x81: {  	[sflag:s21] =	ssyncset.done $0x0  }
0x82: {  	[sflag:s21] =	ssyncadd.s32 $0xFFFFEC00  }
0x83: {  	[tilespmem:s22], [sflag:$0x3] =	stream.linear.gather [hbm4b:s9+s2], $0x1400, $0x38;
	[tilespmem:$0x1E800] =	vst v63  }
0x84: {  	_ =	swait.ge [sflag:s21], $0x1400  }
0x85: {  	[sflag:s21] =	ssyncset.done $0x0  }
0x86: {  	[sflag:s21] =	ssyncadd.s32 $0xFFFFEC00  }
0x87: {  	[tilespmem:s20], [sflag:$0x1] =	stream.indirect.gather [hbm4b:s7+s23], $0x80, s2, s23, $0xb8;
	[tilespmem:$0x1E800] =	vst v63  }
0x88: {  	_ = 	snop  }
0x89: {  	[tilespmem:s25], [sflag:$0x2] =	stream.indirect.gather [hbm4b:s7+s23], $0x80, s24, s23, $0xb8;
	[tilespmem:$0x1E800] =	vst v63  }
0x8a: {  	_ =	swait.ge [sflag:s26], $0x3E80  }
0x8b: {  	[sflag:s26] =	ssyncset.done $0x0  }
0x8c: {  	s2 =	simm.s32 $0x1400;
	[sflag:s26] =	ssyncadd.s32 $0xFFFFC180  }
0x8d: {  	[spmem:s1] =	stream.indirect.scatter.add.f32 [tilespmem:s20], [sflag:$0x3], $0x80, s2, s23, $0xb8;
	[tilespmem:$0x1E800] =	vst v63  }
0x8e: {  	_ =	swait.ge [sflag:s21], $0x3E80  }
0x8f: {  	[sflag:s21] =	ssyncset.done $0x0  }
0x90: {  	s2 =	simm.s32 $0x100;
	[sflag:s21] =	ssyncadd.s32 $0xFFFFC180  }
0x91: {  	[tilespmem:s20], [sflag:$0x1] =	stream.indirect.gather [hbm4b:s7+s23], $0x80, s2, s23, $0xb8;
	[tilespmem:$0x1E800] =	vst v63  }
0x92: {  	_ =	swait.ge [sflag:s28], $0x3E80  }
0x93: {  	[sflag:s28] =	ssyncset.done $0x0  }
0x94: {  	s2 =	simm.s32 $0x1480;
	[sflag:s28] =	ssyncadd.s32 $0xFFFFC180  }
0x95: {  	[spmem:s1] =	stream.indirect.scatter.add.f32 [tilespmem:s25], [sflag:$0x3], $0x80, s2, s23, $0xb8;
	[tilespmem:$0x1E800] =	vst v63  }
0x96: {  	_ =	swait.ge [sflag:s21], $0x3E80  }
0x97: {  	[sflag:s21] =	ssyncset.done $0x0  }
0x98: {  	s31 =	simm.s32 $0x400;
	s0 =	simm.s32 $0x180;
	[sflag:s21] =	ssyncadd.s32 $0xFFFFC180  }
.LBB2_6:
0x99: {  	[tilespmem:s25], [sflag:$0x2] =	stream.indirect.gather [hbm4b:s7+s23], $0x80, s0, s23, $0xb8;
	[tilespmem:$0x1E800] =	vst v63  }
0x9a: {  	s0 =	smov.u32 s31  }
0x9b: {  	p0 =	sne.s32 s31, $0x4800;
	s31 =	sadd.s32 $0x400, s31;
	_ =	swait.ge [sflag:s26], $0x3E80  }
0x9c: {  	s0 =	sshra.s32 s0, $0x2;
	[sflag:s26] =	ssyncset.done $0x0  }
0x9d: {  	s2 =	sadd.s32 $0x1400, s0;
	[sflag:s26] =	ssyncadd.s32 $0xFFFFC180  }
0x9e: {  	[spmem:s1] =	stream.indirect.scatter.add.f32 [tilespmem:s20], [sflag:$0x3], $0x80, s2, s23, $0xb8;
	[tilespmem:$0x1E800] =	vst v63  }
0x9f: {  	_ =	swait.ge [sflag:s21], $0x3E80  }
0xa0: {  	[sflag:s21] =	ssyncset.done $0x0  }
0xa1: {  	s2 =	sadd.s32 $0x100, s0;
	[sflag:s21] =	ssyncadd.s32 $0xFFFFC180  }
0xa2: {  	[tilespmem:s20], [sflag:$0x1] =	stream.indirect.gather [hbm4b:s7+s23], $0x80, s2, s23, $0xb8;
	[tilespmem:$0x1E800] =	vst v63  }
0xa3: {  	_ =	swait.ge [sflag:s28], $0x3E80  }
0xa4: {  	[sflag:s28] =	ssyncset.done $0x0  }
.Ltmp2:
0xa5: {  	s2 =	sadd.s32 $0x1480, s0;
	[sflag:s28] =	ssyncadd.s32 $0xFFFFC180;
	(pc) =	sbr.rel @p0 .LBB2_6-.Ltmp2, $4  }
0xa6: {  	[spmem:s1] =	stream.indirect.scatter.add.f32 [tilespmem:s25], [sflag:$0x3], $0x80, s2, s23, $0xb8;
	[tilespmem:$0x1E800] =	vst v63  }
0xa7: {  	_ =	swait.ge [sflag:s21], $0x3E80  }
0xa8: {  	[sflag:s21] =	ssyncset.done $0x0  }
0xa9: {  	s0 =	sadd.s32 $0x180, s0;
	[sflag:s21] =	ssyncadd.s32 $0xFFFFC180  }
0xaa: {  	[tilespmem:s25], [sflag:$0x2] =	stream.indirect.gather [hbm4b:s7+s23], $0x80, s0, s23, $0xb8;
	[tilespmem:$0x1E800] =	vst v63  }
0xab: {  	_ =	swait.ge [sflag:s26], $0x3E80  }
0xac: {  	[sflag:s26] =	ssyncset.done $0x0  }
0xad: {  	[sflag:s26] =	ssyncadd.s32 $0xFFFFC180  }
0xae: {  	[spmem:s1] =	stream.indirect.scatter.add.f32 [tilespmem:s20], [sflag:$0x3], $0x80, s29, s23, $0xb8;
	[tilespmem:$0x1E800] =	vst v63  }
0xaf: {  	_ =	swait.ge [sflag:s21], $0x3E80  }
0xb0: {  	[sflag:s21] =	ssyncset.done $0x0  }
0xb1: {  	[sflag:s21] =	ssyncadd.s32 $0xFFFFC180  }
0xb2: {  	_ =	swait.ge [sflag:s28], $0x3E80  }
0xb3: {  	[sflag:s28] =	ssyncset.done $0x0  }
0xb4: {  	[sflag:s28] =	ssyncadd.s32 $0xFFFFC180  }
0xb5: {  	[spmem:s1] =	stream.indirect.scatter.add.f32 [tilespmem:s25], [sflag:$0x3], $0x80, s30, s23, $0xb8;
	[tilespmem:$0x1E800] =	vst v63  }
0xb6: {  	s31 =	stileid.u32;
	_ =	swait.ge [sflag:s21], $0x3E80  }
0xb7: {  	s2 =	sshrl.u32 s11, $0x3;
	s3 =	sadd.s32 $0x1, s3;
	[sflag:s21] =	ssyncset.done $0x0  }
0xb8: {  	s0 =	sshll.u32 s31, $0x6;
	p0 =	sne.s32 s3, s12;
	[sflag:s21] =	ssyncadd.s32 $0xFFFFC180  }
.Ltmp3:
0xb9: {  	s0 =	sor.u32 $0x1C03, s0;
	[bflag:$0x0] =	sbarrier.arrive $0xFFFF;
	(pc) =	sbr.rel @p0 .LBB2_1-.Ltmp3, $4  }
0xba: {  	[hbm:s10], [sflag:s0] =	dma.local [spmem:s2], $0x2800  }
0xbb: {  	_ =	swait.ge [sflag:s21], $0x2800  }
0xbc: {  	[sflag:s21] =	ssyncset.done $0x0  }
0xbd: {  	[sflag:s21] =	ssyncadd.s32 $0xFFFFD800  }
0xbe: {  	_ =	sfence.sel $0x180000  }
0xbf: {  	[bflag:$0x0] =	sbarrier.arrive $0xFFFF  }
0xc0: {  	_ =	strace $0x9000004A  }
0xc1: {  	s0 =	stileid.u32;
	[bflag:$0x2] =	sbarrier.arrive $0xFFFF  }
0xc2: {  	p0 =	sne.s32 s0, $0x0;
	s0 =	rddreg [dreg:$0x3]  }
0xc3: {  	s0 =	sadd.s32 @!p0 $0x100000, s0  }
0xc4: {  	[sflag:s0] =	ssyncadd.tile.s32 @!p0 $0x1;
	_ =	shalt  }
.Lfunc_end2:
_tile_overlayer_lowered:
.L_overlay_start_2:
0xc5: {  	(tag) =	ssettag $0x2  }
0xc6: {  	s0 =	rddreg [dreg:$0x0];
	s2 =	stileid.u32  }
0xc7: {  	s1 =	rddreg [dreg:$0x1];
	p0 =	sne.s32 s2, $0x0  }
0xc8: {  	s3 =	rddreg [dreg:$0x2];
	[bflag:$0x3] =	sbarrier.arrive $0xFFFF;
	s2 =	simm.s32 @!p0 $0x1C03  }
0xc9: {  	[timem:s3], [sflag:s2] =	dma.local @!p0 [hbm:s0], s1  }
0xca: {  	s0 =	simm.s32 @!p0 $0x3  }
0xcb: {  	_ =	swait.ge @!p0 [sflag:s0], s1  }
0xcc: {  	s1 =	ssub.s32 @!p0 $0x0, s1;
	[sflag:s0] =	ssyncset.done @!p0 $0x0  }
0xcd: {  	[sflag:s0] =	ssyncadd.s32 @!p0 s1  }
0xce: {  	[bflag:$0x3] =	sbarrier.arrive $0xFFFF  }
0xcf: {  	_ =	shalt  }

// kernel: kernel.7.cloned.1.call-start
scs
__scs_entry_jumppad:
0x0: {  	(pc) =	sbr.rel $0x88, $3  }
0x1: {  	(tag) =	ssettag $0x0;
	lr =	simm.s32 $0x1  }
0x2: {  	[smem:$0x3F9E] =	sst lr;
	_ =	strace $0xD0000000  }
0x3: {  	_ = 	snop  }
0x4: {  	_ = 	snop  }
0x5: {  	_ = 	snop  }
0x6: {  	_ = 	snop  }
0x7: {  	_ = 	snop  }
__scs_overlays_trampoline_lowered:
0x8: {  	[smem:$0x3FAD] =	sst s0  }
0x9: {  	[smem:$0x3FAE] =	sst s1  }
0xa: {  	[smem:$0x3FAF] =	sst s2  }
0xb: {  	[smem:$0x3FB0] =	sst s3  }
0xc: {  	[smem:$0x3FB1] =	sst s4  }
0xd: {  	[smem:$0x3FB2] =	sst s5  }
0xe: {  	[smem:$0x3FB3] =	sst s6  }
0xf: {  	[smem:$0x3FB4] =	sst s7  }
0x10: {  	[smem:$0x3FB5] =	sst s8  }
0x11: {  	[smem:$0x3FB6] =	sst s9;
	s0 =	simm.s32 @!p0 $0x0  }
0x12: {  	s1 =	sld [smem:$0x3F9C];
	s0 =	simm.s32 @p0 $0x1  }
0x13: {  	[smem:$0x3FB7] =	sst s0;
	s0 =	simm.s32 @!p1 $0x0  }
0x14: {  	s2 =	sld [smem:$0x3F9B];
	s0 =	simm.s32 @p1 $0x1  }
0x15: {  	[smem:$0x3FB8] =	sst s0;
	s0 =	simm.s32 @!p2 $0x0  }
0x16: {  	s3 =	sld [smem:$0x3FDB];
	s0 =	simm.s32 @p2 $0x1  }
0x17: {  	s4 =	simm.s32 $0x1BF5;
	[smem:$0x3FBA] =	sst s0  }
0x18: {  	s0 =	sld [smem:$0x3F9D];
	_ =	swait.ge [sflag:s4], $0x0  }
0x19: {  	s7 =	sld [smem:$0x3F9E]  }
0x1a: {  	s8 =	sadd.s32 $0xFFFFE003, lr  }
0x1b: {  	s9 =	sadd.s32 $0xFFFFFEF7, lr;
	s5 =	simm.s32 $0xFFFFFFFF;
	p2 =	slt.u32 s8, $0xFFFFF086  }
0x1c: {  	p1 =	slt.u32 s9, $0xF7A;
	s5 =	simm.s32 @!p2 $0x0  }
0x1d: {  	s5 =	simm.s32 @p1 $0x1;
	p0 =	seq.s32 s7, s2  }
0x1e: {  	s7 =	smul.u32 @!p0 $0xF7A, s2;
	p2 =	seq.s32 @!p0 s5, $0x0  }
0x1f: {  	s9 =	smul.u32 $0xF7A, s1;
	s8 =	simm.s32 @!p0 $0x1BF5;
	p2 =	por !p2, p0  }
0x20: {  	[sflag:s8] =	ssyncset.s32 @!p0 $0xFFFFF086;
	s6 =	sadd.s32 @!p0 s3, s7;
	s7 =	simm.s32 @!p0 $0x108  }
0x21: {  	s3 =	sadd.s32 s3, s9;
	s6 =	sadd.s32 @!p0 $0x88, s6;
	s7 =	simm.s32 @p2 $0x1082  }
0x22: {  	[simem:s7], [sflag:s8] =	dma.local @!p0 [hbm:s6], $0xF7A  }
0x23: {  	s9 =	sor.u32 $0xD0000000, s2;
	s6 =	simm.s32 $0x108;
	_ =	swait.ge @!p0 [sflag:s8], $0x0  }
0x24: {  	s3 =	sadd.s32 $0x88, s3;
	s6 =	simm.s32 @!p1 $0x1082;
	[sflag:s4] =	ssyncset.s32 $0xFFFFF086  }
0x25: {  	[simem:s6], [sflag:s4] =	dma.local [hbm:s3], $0xF7A  }
0x26: {  	[smem:$0x3F9E] =	sst s1;
	(tag) =	ssettag s2;
	_ =	strace s9  }
0x27: {  	s1 =	sld [smem:$0x3FAE]  }
0x28: {  	s2 =	sld [smem:$0x3FAF]  }
0x29: {  	s4 =	sld [smem:$0x3FB1]  }
0x2a: {  	p0 =	seq.s32 s5, $0x0;
	s5 =	sld [smem:$0x3FB2]  }
0x2b: {  	s6 =	sld [smem:$0x3FB3]  }
0x2c: {  	s7 =	sld [smem:$0x3FB4]  }
0x2d: {  	s3 =	simm.s32 $0x108;
	s8 =	sld [smem:$0x3FB5]  }
0x2e: {  	s3 =	simm.s32 @!p0 $0x1082;
	s9 =	sld [smem:$0x3FB6]  }
0x2f: {  	lr =	sadd.s32 s0, s3;
	s0 =	sld [smem:$0x3FAD]  }
0x30: {  	s3 =	sld [smem:$0x3FB0]  }
0x31: {  	[smem:$0x3FB9] =	sst s10  }
0x32: {  	s10 =	sld [smem:$0x3FB7];
	_ =	sdelay $0x3  }
0x33: {  	p0 =	seq.s32 s10, $0x1;
	s10 =	sld [smem:$0x3FB9];
	_ =	sdelay $0x3  }
0x34: {  	[smem:$0x3FB9] =	sst s10  }
0x35: {  	s10 =	sld [smem:$0x3FB8];
	_ =	sdelay $0x3  }
0x36: {  	p1 =	seq.s32 s10, $0x1;
	s10 =	sld [smem:$0x3FB9];
	_ =	sdelay $0x3  }
0x37: {  	[smem:$0x3FB9] =	sst s10  }
0x38: {  	s10 =	sld [smem:$0x3FBA]  }
0x39: {  	_ = 	snop;
	(pc) =	sbr.ind lr, $3  }
0x3a: {  	_ = 	snop  }
0x3b: {  	_ = 	snop  }
0x3c: {  	p2 =	seq.s32 s10, $0x1;
	s10 =	sld [smem:$0x3FB9]  }
0x3d: {  	_ =	shalt  }
0x3e: {  	_ =	shalt  }
0x3f: {  	_ =	shalt  }
0x40: {  	_ =	shalt  }
0x41: {  	_ =	shalt  }
0x42: {  	_ =	shalt  }
0x43: {  	_ =	shalt  }
0x44: {  	_ =	shalt  }
0x45: {  	_ =	shalt  }
0x46: {  	_ =	shalt  }
0x47: {  	_ =	shalt  }
0x48: {  	_ =	shalt  }
0x49: {  	_ =	shalt  }
0x4a: {  	_ =	shalt  }
0x4b: {  	_ =	shalt  }
0x4c: {  	_ =	shalt  }
0x4d: {  	_ =	shalt  }
0x4e: {  	_ =	shalt  }
0x4f: {  	_ =	shalt  }
0x50: {  	_ =	shalt  }
0x51: {  	_ =	shalt  }
0x52: {  	_ =	shalt  }
0x53: {  	_ =	shalt  }
0x54: {  	_ =	shalt  }
0x55: {  	_ =	shalt  }
0x56: {  	_ =	shalt  }
0x57: {  	_ =	shalt  }
0x58: {  	_ =	shalt  }
0x59: {  	_ =	shalt  }
0x5a: {  	_ =	shalt  }
0x5b: {  	_ =	shalt  }
0x5c: {  	_ =	shalt  }
0x5d: {  	_ =	shalt  }
0x5e: {  	_ =	shalt  }
0x5f: {  	_ =	shalt  }
0x60: {  	_ =	shalt  }
0x61: {  	_ =	shalt  }
0x62: {  	_ =	shalt  }
0x63: {  	_ =	shalt  }
0x64: {  	_ =	shalt  }
0x65: {  	_ =	shalt  }
0x66: {  	_ =	shalt  }
0x67: {  	_ =	shalt  }
0x68: {  	_ =	shalt  }
0x69: {  	_ =	shalt  }
0x6a: {  	_ =	shalt  }
0x6b: {  	_ =	shalt  }
0x6c: {  	_ =	shalt  }
0x6d: {  	_ =	shalt  }
0x6e: {  	_ =	shalt  }
0x6f: {  	_ =	shalt  }
0x70: {  	_ =	shalt  }
0x71: {  	_ =	shalt  }
0x72: {  	_ =	shalt  }
0x73: {  	_ =	shalt  }
0x74: {  	_ =	shalt  }
0x75: {  	_ =	shalt  }
0x76: {  	_ =	shalt  }
0x77: {  	_ =	shalt  }
0x78: {  	_ =	shalt  }
0x79: {  	_ =	shalt  }
0x7a: {  	_ =	shalt  }
0x7b: {  	_ =	shalt  }
0x7c: {  	_ =	shalt  }
0x7d: {  	_ =	shalt  }
0x7e: {  	_ =	shalt  }
0x7f: {  	_ =	shalt  }
0x80: {  	_ =	shalt  }
0x81: {  	_ =	shalt  }
0x82: {  	_ =	shalt  }
0x83: {  	_ =	shalt  }
0x84: {  	_ =	shalt  }
0x85: {  	_ =	shalt  }
0x86: {  	_ =	shalt  }
0x87: {  	_ =	shalt  }
.Lfunc_end0:
.L_simem_size_0:
called_computation_lowered:
.L_overlay_start_0:
0x88: {  	s2 =	sld [smem:$0x3FD9]  }
0x89: {  	s3 =	sld [smem:$0x3FFE];
	_ =	sdelay $0x1  }
0x8a: {  	s1 =	srdreg.scid  }
0x8b: {  	s0 =	sand.u32 $0x1, s1  }
0x8c: {  	s16 =	sshll.u32 s0, $0xA;
	s2 =	sadd.s32 s3, s2  }
0x8d: {  	s2 =	sadd.s32 s2, s16  }
0x8e: {  	[smem:$0x3FC5] =	sst s2  }
0x8f: {  	_ = 	snop  }
0x90: {  	(tm) =	ssettm $0x1  }
0x91: {  	s17 =	sld [smem:$0x3FFB];
	_ =	sdelay $0x3  }
0x92: {  	_ =	strace s17  }
0x93: {  	s2 =	sld [smem:$0x3FFC];
	_ =	sdelay $0x3  }
0x94: {  	_ =	strace s2  }
0x95: {  	s2 =	sld [smem:$0x3FFD];
	_ =	sdelay $0x3  }
0x96: {  	_ =	strace s2  }
0x97: {  	_ =	strace $0x8FFFFFFF  }
0x98: {  	s18 =	sld [smem:$0x3FDB];
	_ =	sdelay $0x1  }
0x99: {  	s19 =	simm.s32 $_scs_section_size  }
0x9a: {  	s4 =	simm.s32 $_size__tile_overlayer_lowered;
	s5 =	simm.s32 $_tile_overlayer_lowered  }
0x9b: {  	s22 =	simm.s32 $0x1BFF;
	s21 =	sshll.u32 s5, $0x1;
	s2 =	sadd.s32 s19, s18  }
0x9c: {  	s6 =	simm.s32 $0x0;
	s20 =	sshll.u32 s4, $0x1;
	s4 =	sadd.s32 s21, s2  }
0x9d: {  	[timem:s6], [sflag:s22] =	dma.local [hbm:s4], s20  }
0x9e: {  	_ =	swait.ge [sflag:s22], s20  }
0x9f: {  	s3 =	ssub.s32 $0x0, s20;
	[sflag:s22] =	ssyncset.done $0x0  }
0xa0: {  	[sflag:s22] =	ssyncadd.s32 s3;
	_ =	sdelay $0x1  }
0xa1: {  	s23 =	simm.s32 $0x1B8B  }
0xa2: {  	_ =	swait.ge [sflag:s23], $0x1  }
0xa3: {  	[sflag:s23] =	ssyncset.done $0x0  }
0xa4: {  	s25 =	simm.s32 $0x1B8E;
	s24 =	sld [smem:$0x3FFE];
	[sflag:s23] =	ssyncadd.s32 $0xFFFFFFFF  }
0xa5: {  	s26 =	simm.s32 $execute0_lowered;
	[smem:$0x3FD2] =	sst s25  }
0xa6: {  	s4 =	sshll.u32 s26, $0x1;
	_ =	strace $0x80000046;
	[dreg:$0x1] =	wrdreg $0xFFFFFFFF  }
0xa7: {  	s28 =	simm.s32 $_size_execute0_lowered;
	s2 =	sadd.s32 s2, s4;
	[dreg:$0x0] =	wrdreg $0x0  }
0xa8: {  	s4 =	sshll.u32 s28, $0x1;
	[dreg:$0x2] =	wrdreg s2  }
0xa9: {  	[dreg:$0x3] =	wrdreg s4  }
0xaa: {  	[dreg:$0x4] =	wrdreg $0xC0  }
0xab: {  	_ =	task [dreg:s6], $0x5FFFF  }
0xac: {  	[dreg:$0x1] =	wrdreg $0xFFFFFFFF  }
0xad: {  	[dreg:$0x0] =	wrdreg $0x60  }
0xae: {  	[dreg:$0x2] =	wrdreg s24  }
0xaf: {  	[dreg:$0x3] =	wrdreg $0xA4000  }
0xb0: {  	[dreg:$0x4] =	wrdreg $0x9  }
0xb1: {  	_ =	task.clear_ibuf [dreg:s6], $0x5FFFF;
	_ =	strace $0x90000046  }
0xb2: {  	s29 =	simm.s32 $0x9;
	_ =	strace $0x80000048  }
0xb3: {  	_ =	swait.ge [sflag:s29], $0x1  }
0xb4: {  	[sflag:s29] =	ssyncadd.s32 $0xFFFFFFFF  }
0xb5: {  	_ =	strace $0x90000048  }
0xb6: {  	_ =	sfence  }
0xb7: {  	s30 =	sld [smem:$0x0];
	_ =	sdelay $0x2  }
0xb8: {  	s31 =	sshll.u32 s1, $0xD;
	s1 =	sshrl.u32 s1, $0x2  }
0xb9: {  	s3 =	sand.u32 $0x4000, s31;
	s1 =	sadd.s32 s1, s30  }
0xba: {  	s0 =	sor.u32 s3, s0;
	s1 =	sshll.u32 s1, $0x11  }
0xbb: {  	s0 =	sor.u32 s1, s0  }
0xbc: {  	s0 =	sadd.s32 $0x8F2B, s0  }
0xbd: {  	[sflag:s0] =	ssyncadd.remote.s32 $0x1  }
0xbe: {  	_ =	sfence.sel $0xFFFF  }
0xbf: {  	[dreg:$0x0] =	wrdreg $0xFFFFFFFF;
	(pc) =	sbr.abs _section_cstart, $3  }
0xc0: {  	[dreg:$0x1] =	wrdreg $0xFFFFFFFF  }
0xc1: {  	_ =	task.clear_ibuf [dreg:s6], $0x2FFFF;
	_ =	strace $0x9FFFFFFF  }
0xc2: {  	(tm) =	ssettm $0x7FFFFFFF  }
0xc3: {  	_ =	shalt  }
tec
execute0_lowered:
.L_overlay_start_1:
0x0: {  	(tag) =	ssettag $0x1  }
0x1: {  	s0 =	rddreg [dreg:$0x0]  }
0x2: {  	s2 =	rddreg [dreg:$0x1]  }
0x3: {  	s1 =	srdreg.scid;
	s7 =	stileid.u32  }
0x4: {  	s3 =	simm.s32 $0x0;
	s11 =	simm.s32 $0x5400;
	s12 =	simm.s32 $0x2  }
0x5: {  	s13 =	simm.s32 $0x7D;
	s14 =	simm.s32 $0x1400;
	s22 =	simm.s32 $0xD00  }
0x6: {  	s23 =	simm.s32 $0xD80;
	s24 =	simm.s32 $0xE00;
	s28 =	simm.s32 $0xF80  }
0x7: {  	s29 =	simm.s32 $0x1000;
	s30 =	simm.s32 $0x1080;
	s31 =	simm.s32 $0x1100  }
0x8: {  	s15 =	simm.s32 $0x1280;
	s16 =	simm.s32 $0x1300;
	s17 =	simm.s32 $0x1380  }
0x9: {  	s18 =	simm.s32 $0x1;
	s19 =	simm.s32 $0x0;
	s6 =	smul.u32 $0x14000, s7  }
0xa: {  	s1 =	sand.u32 $0x1, s1;
	[smem:$0x7FF] =	sst s3;
	s25 =	smul.u32 $0x50000, s7  }
0xb: {  	s4 =	smul.u32 $0x140000, s1;
	s5 =	sshll.u32 s1, $0x4;
	s1 =	ssub.s32 $0x2, s1  }
0xc: {  	_ =	strace $0x80000047;
	s5 =	sor.u32 s7, s5;
	s26 =	sshrl.u32 s1, $0x1  }
0xd: {  	s5 =	smul.u32 $0x280, s5;
	s4 =	sadd.s32 s6, s4;
	s1 =	ssub.s32 s1, s26  }
0xe: {  	s6 =	sshrl.u32 s25, $0x2;
	s25 =	simm.s32 $0xE80;
	s26 =	simm.s32 $0xF00  }
0xf: {  	s4 =	sshrl.u32 s4, $0x3;
	s6 =	sadd.s32 s6, s2;
	s7 =	smax.u32 s1, $0x1  }
0x10: {  	s1 =	simm.s32 $0x1200;
	s5 =	sadd.s32 s5, s0;
	s0 =	sadd.s32 s4, s0  }
0x11: {  	s8 =	sadd.s32 $0x5000, s6;
	s9 =	sadd.s32 $0xA000, s6;
	s10 =	sadd.s32 $0xF000, s6  }
0x12: {  	v0 =	vimm.f32 $1.000000000e+00;
	v1 =	vimm.f32 $0.0e+00;
	s4 =	sadd.s32 $0x2600, s5;
	s5 =	sadd.s32 $0xC600, s0;
	s0 =	simm.s32 $0x1180  }
.LBB2_1:
0x13: {  	s20 =	simm.s32 $0x0  }
.LBB2_2:
0x14: {  	p0 =	sne.s32 s20, $0xF800  }
.Ltmp0:
0x15: {  	_ = 	snop;
	(pc) =	sbr.rel @p0 .LBB2_2-.Ltmp0, $3  }
0x16: {  	_ =	sdelay $0x1  }
0x17: {  	s21 =	sshra.s32 s20, $0x2  }
0x18: {  	s20 =	sadd.s32 $0x200, s20;
	[tilespmem:s21+$0x1400] =	vst v0  }
0x19: {  	s20 =	simm.s32 $0x200;
	s21 =	simm.s32 $0x0  }
.LBB2_4:
0x1a: {  	p0 =	sne.s32 s20, $0x13E00;
	[tilespmem:s21+$0x5400] =	vst v1;
	s21 =	smov.u32 s20;
	s20 =	sadd.s32 $0x200, s20  }
.Ltmp1:
0x1b: {  	(pc) =	sbr.rel @p0 .LBB2_4-.Ltmp1, $2  }
0x1c: {  	_ =	sdelay $0x2  }
0x1d: {  	s21 =	sshra.s32 s21, $0x2  }
0x1e: {  	[tilespmem:s21+$0x5400] =	vst v1  }
0x1f: {  	[spmem:s6] =	stream.linear.scatter [tilespmem:s11], [sflag:$0x2], $0x5000, $0x38;
	[tilespmem:$0xCC00] =	vst v63  }
0x20: {  	_ =	swait.ge [sflag:s12], $0x5000  }
0x21: {  	[sflag:s12] =	ssyncset.done $0x0  }
0x22: {  	[sflag:s12] =	ssyncadd.s32 $0xFFFFB000  }
0x23: {  	[spmem:s8] =	stream.linear.scatter [tilespmem:s11], [sflag:$0x2], $0x5000, $0x38;
	[tilespmem:$0xCC00] =	vst v63  }
0x24: {  	_ =	swait.ge [sflag:s12], $0x5000  }
0x25: {  	[sflag:s12] =	ssyncset.done $0x0  }
0x26: {  	[sflag:s12] =	ssyncadd.s32 $0xFFFFB000  }
0x27: {  	[spmem:s9] =	stream.linear.scatter [tilespmem:s11], [sflag:$0x2], $0x5000, $0x38;
	[tilespmem:$0xCC00] =	vst v63  }
0x28: {  	_ =	swait.ge [sflag:s12], $0x5000  }
0x29: {  	[sflag:s12] =	ssyncset.done $0x0  }
0x2a: {  	[sflag:s12] =	ssyncadd.s32 $0xFFFFB000  }
0x2b: {  	[spmem:s10] =	stream.linear.scatter [tilespmem:s11], [sflag:$0x2], $0x5000, $0x38;
	[tilespmem:$0xCC00] =	vst v63  }
0x2c: {  	_ =	swait.ge [sflag:s12], $0x5000  }
0x2d: {  	[sflag:s12] =	ssyncset.done $0x0  }
0x2e: {  	[sflag:s12] =	ssyncadd.s32 $0xFFFFB000  }
0x2f: {  	[bflag:$0x0] =	sbarrier.arrive $0xFFFF  }
0x30: {  	[tilespmem:s3], [sflag:$0x2] =	stream.linear.gather [hbm4b:s4+s3], $0x1400, $0x38;
	[tilespmem:$0xCC00] =	vst v63  }
0x31: {  	_ =	swait.ge [sflag:s12], $0x1400  }
0x32: {  	[sflag:s12] =	ssyncset.done $0x0  }
0x33: {  	[sflag:s12] =	ssyncadd.s32 $0xFFFFEC00  }
0x34: {  	[spmem:s2] =	stream.indirect.scatter.add.f32 [tilespmem:s14], [sflag:$0x1], $0x10, s3, s13, $0xb8;
	[tilespmem:$0xCC00] =	vst v63  }
0x35: {  	s20 =	simm.s32 $0x80  }
0x36: {  	[spmem:s2] =	stream.indirect.scatter.add.f32 [tilespmem:s14], [sflag:$0x1], $0x10, s20, s13, $0xb8;
	[tilespmem:$0xCC00] =	vst v63  }
0x37: {  	s21 =	simm.s32 $0x100  }
0x38: {  	[spmem:s2] =	stream.indirect.scatter.add.f32 [tilespmem:s14], [sflag:$0x1], $0x10, s21, s13, $0xb8;
	[tilespmem:$0xCC00] =	vst v63  }
0x39: {  	s21 =	simm.s32 $0x180  }
0x3a: {  	[spmem:s2] =	stream.indirect.scatter.add.f32 [tilespmem:s14], [sflag:$0x1], $0x10, s21, s13, $0xb8;
	[tilespmem:$0xCC00] =	vst v63  }
0x3b: {  	s21 =	simm.s32 $0x200  }
0x3c: {  	[spmem:s2] =	stream.indirect.scatter.add.f32 [tilespmem:s14], [sflag:$0x1], $0x10, s21, s13, $0xb8;
	[tilespmem:$0xCC00] =	vst v63  }
0x3d: {  	s21 =	simm.s32 $0x280  }
0x3e: {  	[spmem:s2] =	stream.indirect.scatter.add.f32 [tilespmem:s14], [sflag:$0x1], $0x10, s21, s13, $0xb8;
	[tilespmem:$0xCC00] =	vst v63  }
0x3f: {  	s21 =	simm.s32 $0x300  }
0x40: {  	[spmem:s2] =	stream.indirect.scatter.add.f32 [tilespmem:s14], [sflag:$0x1], $0x10, s21, s13, $0xb8;
	[tilespmem:$0xCC00] =	vst v63  }
0x41: {  	s21 =	simm.s32 $0x380  }
0x42: {  	[spmem:s2] =	stream.indirect.scatter.add.f32 [tilespmem:s14], [sflag:$0x1], $0x10, s21, s13, $0xb8;
	[tilespmem:$0xCC00] =	vst v63  }
0x43: {  	s21 =	simm.s32 $0x400  }
0x44: {  	[spmem:s2] =	stream.indirect.scatter.add.f32 [tilespmem:s14], [sflag:$0x1], $0x10, s21, s13, $0xb8;
	[tilespmem:$0xCC00] =	vst v63  }
0x45: {  	s21 =	simm.s32 $0x480  }
0x46: {  	[spmem:s2] =	stream.indirect.scatter.add.f32 [tilespmem:s14], [sflag:$0x1], $0x10, s21, s13, $0xb8;
	[tilespmem:$0xCC00] =	vst v63  }
0x47: {  	s21 =	simm.s32 $0x500  }
0x48: {  	[spmem:s2] =	stream.indirect.scatter.add.f32 [tilespmem:s14], [sflag:$0x1], $0x10, s21, s13, $0xb8;
	[tilespmem:$0xCC00] =	vst v63  }
0x49: {  	s21 =	simm.s32 $0x580  }
0x4a: {  	[spmem:s2] =	stream.indirect.scatter.add.f32 [tilespmem:s14], [sflag:$0x1], $0x10, s21, s13, $0xb8;
	[tilespmem:$0xCC00] =	vst v63  }
0x4b: {  	s21 =	simm.s32 $0x600  }
0x4c: {  	[spmem:s2] =	stream.indirect.scatter.add.f32 [tilespmem:s14], [sflag:$0x1], $0x10, s21, s13, $0xb8;
	[tilespmem:$0xCC00] =	vst v63  }
0x4d: {  	s21 =	simm.s32 $0x680  }
0x4e: {  	[spmem:s2] =	stream.indirect.scatter.add.f32 [tilespmem:s14], [sflag:$0x1], $0x10, s21, s13, $0xb8;
	[tilespmem:$0xCC00] =	vst v63  }
0x4f: {  	s21 =	simm.s32 $0x700  }
0x50: {  	[spmem:s2] =	stream.indirect.scatter.add.f32 [tilespmem:s14], [sflag:$0x1], $0x10, s21, s13, $0xb8;
	[tilespmem:$0xCC00] =	vst v63  }
0x51: {  	s21 =	simm.s32 $0x780  }
0x52: {  	[spmem:s2] =	stream.indirect.scatter.add.f32 [tilespmem:s14], [sflag:$0x1], $0x10, s21, s13, $0xb8;
	[tilespmem:$0xCC00] =	vst v63  }
0x53: {  	s21 =	simm.s32 $0x800  }
0x54: {  	[spmem:s2] =	stream.indirect.scatter.add.f32 [tilespmem:s14], [sflag:$0x1], $0x10, s21, s13, $0xb8;
	[tilespmem:$0xCC00] =	vst v63  }
0x55: {  	s21 =	simm.s32 $0x880  }
0x56: {  	[spmem:s2] =	stream.indirect.scatter.add.f32 [tilespmem:s14], [sflag:$0x1], $0x10, s21, s13, $0xb8;
	[tilespmem:$0xCC00] =	vst v63  }
0x57: {  	s21 =	simm.s32 $0x900  }
0x58: {  	[spmem:s2] =	stream.indirect.scatter.add.f32 [tilespmem:s14], [sflag:$0x1], $0x10, s21, s13, $0xb8;
	[tilespmem:$0xCC00] =	vst v63  }
0x59: {  	s21 =	simm.s32 $0x980  }
0x5a: {  	[spmem:s2] =	stream.indirect.scatter.add.f32 [tilespmem:s14], [sflag:$0x1], $0x10, s21, s13, $0xb8;
	[tilespmem:$0xCC00] =	vst v63  }
0x5b: {  	s21 =	simm.s32 $0xA00  }
0x5c: {  	[spmem:s2] =	stream.indirect.scatter.add.f32 [tilespmem:s14], [sflag:$0x1], $0x10, s21, s13, $0xb8;
	[tilespmem:$0xCC00] =	vst v63  }
0x5d: {  	s21 =	simm.s32 $0xA80  }
0x5e: {  	[spmem:s2] =	stream.indirect.scatter.add.f32 [tilespmem:s14], [sflag:$0x1], $0x10, s21, s13, $0xb8;
	[tilespmem:$0xCC00] =	vst v63  }
0x5f: {  	s21 =	simm.s32 $0xB00  }
0x60: {  	[spmem:s2] =	stream.indirect.scatter.add.f32 [tilespmem:s14], [sflag:$0x1], $0x10, s21, s13, $0xb8;
	[tilespmem:$0xCC00] =	vst v63  }
0x61: {  	s21 =	simm.s32 $0xB80  }
0x62: {  	[spmem:s2] =	stream.indirect.scatter.add.f32 [tilespmem:s14], [sflag:$0x1], $0x10, s21, s13, $0xb8;
	[tilespmem:$0xCC00] =	vst v63  }
0x63: {  	s21 =	simm.s32 $0xC00  }
0x64: {  	[spmem:s2] =	stream.indirect.scatter.add.f32 [tilespmem:s14], [sflag:$0x1], $0x10, s21, s13, $0xb8;
	[tilespmem:$0xCC00] =	vst v63  }
0x65: {  	s21 =	simm.s32 $0xC80  }
0x66: {  	[spmem:s2] =	stream.indirect.scatter.add.f32 [tilespmem:s14], [sflag:$0x1], $0x10, s21, s13, $0xb8;
	[tilespmem:$0xCC00] =	vst v63  }
0x67: {  	_ = 	snop  }
0x68: {  	[spmem:s2] =	stream.indirect.scatter.add.f32 [tilespmem:s14], [sflag:$0x1], $0x10, s22, s13, $0xb8;
	[tilespmem:$0xCC00] =	vst v63  }
0x69: {  	_ = 	snop  }
0x6a: {  	[spmem:s2] =	stream.indirect.scatter.add.f32 [tilespmem:s14], [sflag:$0x1], $0x10, s23, s13, $0xb8;
	[tilespmem:$0xCC00] =	vst v63  }
0x6b: {  	_ = 	snop  }
0x6c: {  	[spmem:s2] =	stream.indirect.scatter.add.f32 [tilespmem:s14], [sflag:$0x1], $0x10, s24, s13, $0xb8;
	[tilespmem:$0xCC00] =	vst v63  }
0x6d: {  	_ = 	snop  }
0x6e: {  	[spmem:s2] =	stream.indirect.scatter.add.f32 [tilespmem:s14], [sflag:$0x1], $0x10, s25, s13, $0xb8;
	[tilespmem:$0xCC00] =	vst v63  }
0x6f: {  	_ = 	snop  }
0x70: {  	[spmem:s2] =	stream.indirect.scatter.add.f32 [tilespmem:s14], [sflag:$0x1], $0x10, s26, s13, $0xb8;
	[tilespmem:$0xCC00] =	vst v63  }
0x71: {  	_ = 	snop  }
0x72: {  	[spmem:s2] =	stream.indirect.scatter.add.f32 [tilespmem:s14], [sflag:$0x1], $0x10, s28, s13, $0xb8;
	[tilespmem:$0xCC00] =	vst v63  }
0x73: {  	_ = 	snop  }
0x74: {  	[spmem:s2] =	stream.indirect.scatter.add.f32 [tilespmem:s14], [sflag:$0x1], $0x10, s29, s13, $0xb8;
	[tilespmem:$0xCC00] =	vst v63  }
0x75: {  	_ = 	snop  }
0x76: {  	[spmem:s2] =	stream.indirect.scatter.add.f32 [tilespmem:s14], [sflag:$0x1], $0x10, s30, s13, $0xb8;
	[tilespmem:$0xCC00] =	vst v63  }
0x77: {  	_ = 	snop  }
0x78: {  	[spmem:s2] =	stream.indirect.scatter.add.f32 [tilespmem:s14], [sflag:$0x1], $0x10, s31, s13, $0xb8;
	[tilespmem:$0xCC00] =	vst v63  }
0x79: {  	_ = 	snop  }
0x7a: {  	[spmem:s2] =	stream.indirect.scatter.add.f32 [tilespmem:s14], [sflag:$0x1], $0x10, s0, s13, $0xb8;
	[tilespmem:$0xCC00] =	vst v63  }
0x7b: {  	_ = 	snop  }
0x7c: {  	[spmem:s2] =	stream.indirect.scatter.add.f32 [tilespmem:s14], [sflag:$0x1], $0x10, s1, s13, $0xb8;
	[tilespmem:$0xCC00] =	vst v63  }
0x7d: {  	_ = 	snop  }
0x7e: {  	[spmem:s2] =	stream.indirect.scatter.add.f32 [tilespmem:s14], [sflag:$0x1], $0x10, s15, s13, $0xb8;
	[tilespmem:$0xCC00] =	vst v63  }
0x7f: {  	_ = 	snop  }
0x80: {  	[spmem:s2] =	stream.indirect.scatter.add.f32 [tilespmem:s14], [sflag:$0x1], $0x10, s16, s13, $0xb8;
	[tilespmem:$0xCC00] =	vst v63  }
0x81: {  	_ = 	snop  }
0x82: {  	[spmem:s2] =	stream.indirect.scatter.add.f32 [tilespmem:s14], [sflag:$0x1], $0x10, s17, s13, $0xb8;
	[tilespmem:$0xCC00] =	vst v63  }
0x83: {  	_ =	swait.ge [sflag:s18], $0x7D0  }
0x84: {  	s20 =	simm.s32 $0x27;
	[sflag:s18] =	ssyncset.done $0x0  }
.LBB2_6:
0x85: {  	p0 =	sne.s32 s20, $0x1;
	s20 =	sadd.s32 $0xFFFFFFFF, s20;
	[sflag:s18] =	ssyncadd.s32 $0xFFFFF830  }
.Ltmp2:
0x86: {  	(pc) =	sbr.rel @p0 .LBB2_6-.Ltmp2, $3  }
0x87: {  	_ =	sdelay $0x1  }
0x88: {  	_ =	swait.ge [sflag:s18], $0x7D0  }
0x89: {  	[sflag:s18] =	ssyncset.done $0x0  }
0x8a: {  	[sflag:s18] =	ssyncadd.s32 $0xFFFFF830;
	s20 =	stileid.u32;
	s19 =	sadd.s32 $0x1, s19  }
0x8b: {  	s21 =	sshrl.u32 s6, $0x3;
	s20 =	sshll.u32 s20, $0x6;
	p0 =	sne.s32 s19, s7  }
.Ltmp3:
0x8c: {  	[bflag:$0x0] =	sbarrier.arrive $0xFFFF;
	s20 =	sor.u32 $0x1C02, s20;
	(pc) =	sbr.rel @p0 .LBB2_1-.Ltmp3, $4  }
0x8d: {  	[hbm:s5], [sflag:s20] =	dma.local [spmem:s21], $0x2800  }
0x8e: {  	_ =	swait.ge [sflag:s12], $0x2800  }
0x8f: {  	[sflag:s12] =	ssyncset.done $0x0  }
0x90: {  	[sflag:s12] =	ssyncadd.s32 $0xFFFFD800  }
0x91: {  	_ =	sfence.sel $0x180000  }
0x92: {  	[bflag:$0x0] =	sbarrier.arrive $0xFFFF  }
0x93: {  	_ =	strace $0x90000047  }
0x94: {  	s0 =	stileid.u32;
	[bflag:$0x2] =	sbarrier.arrive $0xFFFF  }
0x95: {  	p0 =	sne.s32 s0, $0x0;
	s0 =	rddreg [dreg:$0x2]  }
0x96: {  	s0 =	sadd.s32 @!p0 $0x100000, s0  }
0x97: {  	[sflag:s0] =	ssyncadd.tile.s32 @!p0 $0x1;
	_ =	shalt  }
.Lfunc_end2:
_tile_overlayer_lowered:
.L_overlay_start_2:
0x98: {  	(tag) =	ssettag $0x2  }
0x99: {  	s0 =	rddreg [dreg:$0x0];
	s2 =	stileid.u32  }
0x9a: {  	s1 =	rddreg [dreg:$0x1];
	p0 =	sne.s32 s2, $0x0  }
0x9b: {  	s3 =	rddreg [dreg:$0x2];
	[bflag:$0x3] =	sbarrier.arrive $0xFFFF;
	s2 =	simm.s32 @!p0 $0x1C02  }
0x9c: {  	[timem:s3], [sflag:s2] =	dma.local @!p0 [hbm:s0], s1  }
0x9d: {  	s0 =	simm.s32 @!p0 $0x2  }
0x9e: {  	_ =	swait.ge @!p0 [sflag:s0], s1  }
0x9f: {  	s1 =	ssub.s32 @!p0 $0x0, s1;
	[sflag:s0] =	ssyncset.done @!p0 $0x0  }
0xa0: {  	[sflag:s0] =	ssyncadd.s32 @!p0 s1  }
0xa1: {  	[bflag:$0x3] =	sbarrier.arrive $0xFFFF  }
0xa2: {  	_ =	shalt  }

</sc_bundles>
